<compile_context>
chip_gen: v7x
topology: tpu7x:2x2x1
jax: 0.10.2.dev20260603
libtpu: 0.0.44.dev20260713+nightly
codegen_flags: <defaults>
</compile_context>

<pallas_src>
import functools

import jax
import jax.numpy as jnp
from jax import lax
from jax.experimental import pallas as pl
from jax.experimental.pallas import tpu as pltpu
from jax.experimental.pallas import tpu_sc as plsc

N_NODES = 10000
N_EDGES = 320000
D = 128
NC = 2
NS = 16
NW = NC * NS
C = 128
CH = N_EDGES // C
GMAX = CH // NW + 1
N_PAD = 10240
RPT = N_PAD // NS
CNT_PAD = 10240


def _sc_segment_sum(x, e4, z_acc, z_cnt):
    mesh = plsc.VectorSubcoreMesh(
        core_axis_name="c", subcore_axis_name="s", num_cores=NC, num_subcores=NS
    )

    @functools.partial(
        pl.kernel,
        out_type=[
            jax.ShapeDtypeStruct((NC, N_PAD, D), jnp.float32),
            jax.ShapeDtypeStruct((NC, CNT_PAD), jnp.float32),
        ],
        mesh=mesh,
        scratch_types=[
            pltpu.VMEM((GMAX, C), jnp.int32),
            pltpu.VMEM((2, C), jnp.int32),
            pltpu.VMEM((C, D), jnp.float32),
            pltpu.VMEM((C, D), jnp.float32),
            pltpu.VMEM((C,), jnp.float32),
            pltpu.VMEM_SHARED((N_PAD, D), jnp.float32),
            pltpu.VMEM_SHARED((CNT_PAD,), jnp.float32),
            pltpu.SemaphoreType.DMA,
            pltpu.SemaphoreType.DMA,
            pltpu.SemaphoreType.DMA,
            pltpu.SemaphoreType.DMA,
            pltpu.SemaphoreType.DMA,
            pltpu.SemaphoreType.DMA,
            pltpu.SemaphoreType.DMA,
            pltpu.SemaphoreType.DMA,
        ],
    )
    def sc_kernel(x_hbm, e_hbm, zacc_hbm, zcnt_hbm,
                  acc_out, cnt_out, dst_v, sidx_v, rows0_v, rows1_v, ones_v,
                  acc_sh, cnt_sh, semi0, semi1, semg0, semg1, semc, semd,
                  sems0, sems1):
        c = lax.axis_index("c")
        s = lax.axis_index("s")
        wid = c * NS + s
        nch = jnp.where(wid < CH - (GMAX - 1) * NW, GMAX, GMAX - 1)

        def dload(g, carry):
            pltpu.async_copy(e_hbm.at[1, pl.ds((g * NW + wid) * C, C)],
                             dst_v.at[g], semd)
            return carry

        def ddrain(g, carry):
            pltpu.make_async_copy(e_hbm.at[1, pl.ds(0, C)], dst_v.at[0],
                                  semd).wait()
            return carry

        lax.fori_loop(0, nch, dload, 0)

        pltpu.sync_copy(zacc_hbm, acc_sh.at[pl.ds(s * RPT, RPT)])

        @pl.when(s == 0)
        def _():
            pltpu.sync_copy(zcnt_hbm, cnt_sh)

        for j in range(C // 16):
            ones_v[pl.ds(j * 16, 16)] = jnp.full((16,), 1.0, jnp.float32)
        lax.fori_loop(0, nch, ddrain, 0)

        def istart(g, slot, sem):
            pltpu.async_copy(e_hbm.at[0, pl.ds((g * NW + wid) * C, C)],
                             slot, sem)

        def idrain(slot, sem):
            pltpu.make_async_copy(e_hbm.at[0, pl.ds(0, C)], slot, sem).wait()

        def gstart(slot, buf, sem):
            pltpu.async_copy(x_hbm.at[slot], buf, sem)

        def gdrain(buf, sem):
            pltpu.make_async_copy(x_hbm.at[pl.ds(0, C)], buf, sem).wait()

        def sstart(buf, g, sem):
            pltpu.async_copy(buf, acc_sh.at[dst_v.at[g]], sem, add=True)
            pltpu.async_copy(ones_v, cnt_sh.at[dst_v.at[g]], semc, add=True)

        def sdrain(buf, sem):
            pltpu.make_async_copy(x_hbm.at[pl.ds(0, C)], buf, sem).wait()

        istart(0, sidx_v.at[0], semi0)
        idrain(sidx_v.at[0], semi0)
        gstart(sidx_v.at[0], rows0_v, semg0)
        istart(1, sidx_v.at[1], semi1)

        plsc.subcore_barrier()

        def chunk2(k, carry):
            g = 2 * k
            gdrain(rows0_v, semg0)

            @pl.when(g + 2 < nch)
            def _():
                istart(g + 2, sidx_v.at[0], semi0)

            sstart(rows0_v, g, sems0)

            @pl.when(k > 0)
            def _():
                sdrain(rows1_v, sems1)

            idrain(sidx_v.at[1], semi1)
            gstart(sidx_v.at[1], rows1_v, semg1)
            gdrain(rows1_v, semg1)

            @pl.when(g + 3 < nch)
            def _():
                istart(g + 3, sidx_v.at[1], semi1)

            sstart(rows1_v, g + 1, sems1)
            sdrain(rows0_v, sems0)

            @pl.when(g + 2 < nch)
            def _():
                idrain(sidx_v.at[0], semi0)
                gstart(sidx_v.at[0], rows0_v, semg0)

            return carry

        lax.fori_loop(0, (GMAX - 1) // 2, chunk2, 0)

        @pl.when(nch == GMAX)
        def _():
            gdrain(rows0_v, semg0)
            sstart(rows0_v, GMAX - 1, sems0)
            sdrain(rows0_v, sems0)

        sdrain(rows1_v, sems1)

        def cdrain(g, carry):
            pltpu.make_async_copy(zcnt_hbm.at[pl.ds(0, C)], ones_v, semc).wait()
            return carry

        lax.fori_loop(0, nch, cdrain, 0)


        plsc.subcore_barrier()

        pltpu.sync_copy(acc_sh.at[pl.ds(s * RPT, RPT)],
                        acc_out.at[c, pl.ds(s * RPT, RPT)])

        @pl.when(s == 0)
        def _():
            pltpu.sync_copy(cnt_sh, cnt_out.at[c])

    return sc_kernel(x, e4, z_acc, z_cnt)


def _tc_combine(part, cntb, x, wt, b2):
    BN = 2000
    grid = (N_NODES // BN,)

    def body(part_ref, cnt_ref, x_ref, wt_ref, b_ref, out_ref):
        neigh = (part_ref[0] + part_ref[1]) / cnt_ref[...]
        comb = jnp.concatenate([neigh, x_ref[...]], axis=1)
        o = lax.dot_general(comb, wt_ref[...], (((1,), (0,)), ((), ())),
                            preferred_element_type=jnp.float32)
        o = o + b_ref[...]
        out_ref[...] = o * jax.nn.sigmoid(o)

    return pl.pallas_call(
        body,
        grid=grid,
        in_specs=[
            pl.BlockSpec((NC, BN, D), lambda i: (0, i, 0)),
            pl.BlockSpec((BN, D), lambda i: (i, 0)),
            pl.BlockSpec((BN, D), lambda i: (i, 0)),
            pl.BlockSpec((2 * D, D), lambda i: (0, 0)),
            pl.BlockSpec((1, D), lambda i: (0, 0)),
        ],
        out_specs=pl.BlockSpec((BN, D), lambda i: (i, 0)),
        out_shape=jax.ShapeDtypeStruct((N_NODES, D), jnp.float32),
    )(part, cntb, x, wt, b2)


def kernel(x, edge_index, W, b):
    e4 = edge_index.astype(jnp.int32)
    z_acc = jnp.zeros((RPT, D), jnp.float32)
    z_cnt = jnp.zeros((CNT_PAD,), jnp.float32)

    part, cnt = _sc_segment_sum(x, e4, z_acc, z_cnt)

    cntb = jnp.broadcast_to(
        jnp.maximum(cnt[0, :N_NODES] + cnt[1, :N_NODES], 1.0)[:, None],
        (N_NODES, D))
    wt = W.T
    b2 = b.reshape(1, D)
    return _tc_combine(part, cntb, x, wt, b2)

# --- scband reference (transcript-rebuilt; emitter-appended) ---
"""Pipeline reference for scband-hyper-sagnn-54881092108747 (READ-ONLY COPY).

The authoritative reference and input builder live on the scoring server;
editing this copy changes nothing except your own understanding.
"""

import jax, jax.numpy as jnp
import numpy as np

N_NODES = 10000
N_EDGES = 320000
D_FEAT = 128
EMBED_DIM = 128


def swish(x):
    return x * jax.nn.sigmoid(x)


def setup_inputs(seed: int = 0) -> dict:
    key = jax.random.key(seed)
    k1, k2, k3 = jax.random.split(key, 3)
    x = jax.random.normal(k1, (N_NODES, D_FEAT), dtype=jnp.float32)
    edge_index = jax.random.randint(k2, (2, N_EDGES), 0, N_NODES, dtype=jnp.int64)
    # GraphSAGE-style (gcn=False): concat(mean_neighbor, self) -> Linear(2*feat_dim, embed_dim)
    W = jax.random.normal(k3, (EMBED_DIM, 2 * D_FEAT), dtype=jnp.float32) * (1.0 / np.sqrt(2 * D_FEAT))
    b = jnp.zeros((EMBED_DIM,), dtype=jnp.float32)
    return {"x": x, "edge_index": edge_index, "W": W, "b": b}


def reference(x, edge_index, W, b):
    # MeanAggregator_with_weights: sparse mean-aggregation over neighbors
    # (row-normalized sparse adjacency @ embed_matrix), expressed as
    # gather + segment-sum + divide-by-degree.
    src = edge_index[0]
    dst = edge_index[1]
    gathered = jnp.take(x, src, axis=0)                      # gather neighbor feats [E, d]
    neigh_sum = jax.ops.segment_sum(gathered, dst, num_segments=x.shape[0])
    counts = jax.ops.segment_sum(jnp.ones_like(dst, dtype=x.dtype), dst, num_segments=x.shape[0])
    neigh_feats = neigh_sum / jnp.maximum(counts, 1.0)[:, None]  # row-normalized (mean) [N, d]
    # gcn=False -> concat self features (GraphSAGE-style), then linear + swish
    combined = jnp.concatenate([neigh_feats, x], axis=-1)    # [N, 2d]
    out = combined @ W.T + b
    out = swish(out)
    return out

if __name__ == "__main__":
    import jax
    _d = setup_inputs()
    print(jax.jit(kernel)(*tuple(_d.values())))

</pallas_src>

<mosaic_0001>
#map = affine_map<(d0, d1) -> (0, 0)>
#map1 = affine_map<(d0, d1) -> (0)>
#map2 = affine_map<(d0, d1) -> (0, 0, 0)>
module attributes {stable_mosaic.version = 14 : i64} {
  func.func @sc_kernel(%arg0: i32, %arg1: i32, %arg2: memref<10000x128xf32, #tpu.memory_space<hbm>>, %arg3: memref<2x320000xi32, #tpu.memory_space<hbm>>, %arg4: memref<640x128xf32, #tpu.memory_space<hbm>>, %arg5: memref<10240xf32, #tpu.memory_space<hbm>>, %arg6: memref<2x10240x128xf32, #tpu.memory_space<hbm>>, %arg7: memref<2x10240xf32, #tpu.memory_space<hbm>>, %arg8: memref<79x128xi32, #tpu.memory_space<vmem>>, %arg9: memref<2x128xi32, #tpu.memory_space<vmem>>, %arg10: memref<128x128xf32, #tpu.memory_space<vmem>>, %arg11: memref<128x128xf32, #tpu.memory_space<vmem>>, %arg12: memref<128xf32, #tpu.memory_space<vmem>>, %arg13: memref<10240x128xf32, #tpu.memory_space<vmem_shared>>, %arg14: memref<10240xf32, #tpu.memory_space<vmem_shared>>, %arg15: memref<!tpu.dma_semaphore, #tpu.memory_space<semaphore_mem>>, %arg16: memref<!tpu.dma_semaphore, #tpu.memory_space<semaphore_mem>>, %arg17: memref<!tpu.dma_semaphore, #tpu.memory_space<semaphore_mem>>, %arg18: memref<!tpu.dma_semaphore, #tpu.memory_space<semaphore_mem>>, %arg19: memref<!tpu.dma_semaphore, #tpu.memory_space<semaphore_mem>>, %arg20: memref<!tpu.dma_semaphore, #tpu.memory_space<semaphore_mem>>, %arg21: memref<!tpu.dma_semaphore, #tpu.memory_space<semaphore_mem>>, %arg22: memref<!tpu.dma_semaphore, #tpu.memory_space<semaphore_mem>>) attributes {dimension_semantics = [#tpu.dimension_semantics<core_parallel>, #tpu.dimension_semantics<subcore_parallel>], iteration_bounds = array<i64: 2, 16>, scalar_prefetch = 0 : i64, scratch_operands = 15 : i64, tpu.core_type = #tpu.core_type<sc_vector_subcore>, window_params = [{transform_indices = #map}, {transform_indices = #map}, {transform_indices = #map}, {transform_indices = #map1}, {transform_indices = #map2}, {transform_indices = #map}]} {
    %mul3A = arith.constant 16 : i32
    %mul3A_0 = arith.muli %arg0, %mul3A : i32
    %add3A = arith.addi %mul3A_0, %arg1 : i32
    %lt3A = arith.constant 4 : i32
    %lt3A_1 = arith.cmpi slt, %add3A, %lt3A : i32
    %jit3A = arith.constant 79 : i32
    %jit3A_2 = arith.constant 78 : i32
    %select_n3A = arith.select %lt3A_1, %jit3A, %jit3A_2 : i32
    %while3A = arith.constant 0 : i32
    %while3A_3 = arith.constant 0 : i32
    %while3A_4 = arith.subi %select_n3A, %while3A_3 : i32
    %while3A_5 = arith.addi %while3A_3, %while3A_4 : i32
    %while3A_6 = arith.constant 1 : i32
    %while3A_7 = arith.divsi %while3A_4, %while3A_6 : i32
    %while3A_8 = arith.muli %while3A_7, %while3A_6 : i32
    %while3A_9 = arith.addi %while3A_3, %while3A_8 : i32
    %while3A_10 = arith.constant 1 : i32
    scf.for %while3A_159 = %while3A_3 to %while3A_9 step %while3A_10  : i32 {
      %mul3A_160 = arith.constant 32 : i32
      %mul3A_161 = arith.muli %while3A_159, %mul3A_160 : i32
      %add3A_162 = arith.addi %mul3A_161, %add3A : i32
      %mul3A_163 = arith.constant 128 : i32
      %mul3A_164 = arith.muli %add3A_162, %mul3A_163 : i32
      %dma_start3A_165 = arith.constant 1 : i32
      %dma_start3A_166 = arith.constant 0 : i32
      %dma_start3A_167 = tpu.memref_slice %arg8[%while3A_159, %dma_start3A_166] : memref<79x128xi32, #tpu.memory_space<vmem>> -> memref<1x128xi32, #tpu.memory_space<vmem>>
      %dma_start3A_168 = tpu.memref_squeeze %dma_start3A_167 : memref<1x128xi32, #tpu.memory_space<vmem>> -> memref<128xi32, #tpu.memory_space<vmem>>
      %dma_start3A_169 = tpu.memref_slice %arg3[%dma_start3A_165, %mul3A_164] : memref<2x320000xi32, #tpu.memory_space<hbm>> -> memref<1x128xi32, #tpu.memory_space<hbm>>
      %dma_start3A_170 = tpu.memref_squeeze %dma_start3A_169 : memref<1x128xi32, #tpu.memory_space<hbm>> -> memref<128xi32, #tpu.memory_space<hbm>>
      %dma_start3A_171 = arith.constant 0 : i32
      %dma_start3A_172 = tpu.memref_slice %arg8[%while3A_159, %dma_start3A_171] : memref<79x128xi32, #tpu.memory_space<vmem>> -> memref<1x128xi32, #tpu.memory_space<vmem>>
      %dma_start3A_173 = tpu.memref_squeeze %dma_start3A_172 : memref<1x128xi32, #tpu.memory_space<vmem>> -> memref<128xi32, #tpu.memory_space<vmem>>
      %dma_start3A_174 = tpu.memref_slice %arg3[%dma_start3A_165, %mul3A_164] : memref<2x320000xi32, #tpu.memory_space<hbm>> -> memref<1x128xi32, #tpu.memory_space<hbm>>
      %dma_start3A_175 = tpu.memref_squeeze %dma_start3A_174 : memref<1x128xi32, #tpu.memory_space<hbm>> -> memref<128xi32, #tpu.memory_space<hbm>>
      tpu.enqueue_dma source(%dma_start3A_175 : memref<128xi32, #tpu.memory_space<hbm>>) target(%dma_start3A_173 : memref<128xi32, #tpu.memory_space<vmem>>) target_semaphore(%arg20 : memref<!tpu.dma_semaphore, #tpu.memory_space<semaphore_mem>>)
    }
    %while3A_11 = arith.constant 1 : i32
    scf.for %while3A_159 = %while3A_9 to %while3A_5 step %while3A_11  : i32 {
      %mul3A_160 = arith.constant 32 : i32
      %mul3A_161 = arith.muli %while3A_159, %mul3A_160 : i32
      %add3A_162 = arith.addi %mul3A_161, %add3A : i32
      %mul3A_163 = arith.constant 128 : i32
      %mul3A_164 = arith.muli %add3A_162, %mul3A_163 : i32
      %dma_start3A_165 = arith.constant 1 : i32
      %dma_start3A_166 = arith.constant 0 : i32
      %dma_start3A_167 = tpu.memref_slice %arg8[%while3A_159, %dma_start3A_166] : memref<79x128xi32, #tpu.memory_space<vmem>> -> memref<1x128xi32, #tpu.memory_space<vmem>>
      %dma_start3A_168 = tpu.memref_squeeze %dma_start3A_167 : memref<1x128xi32, #tpu.memory_space<vmem>> -> memref<128xi32, #tpu.memory_space<vmem>>
      %dma_start3A_169 = tpu.memref_slice %arg3[%dma_start3A_165, %mul3A_164] : memref<2x320000xi32, #tpu.memory_space<hbm>> -> memref<1x128xi32, #tpu.memory_space<hbm>>
      %dma_start3A_170 = tpu.memref_squeeze %dma_start3A_169 : memref<1x128xi32, #tpu.memory_space<hbm>> -> memref<128xi32, #tpu.memory_space<hbm>>
      %dma_start3A_171 = arith.constant 0 : i32
      %dma_start3A_172 = tpu.memref_slice %arg8[%while3A_159, %dma_start3A_171] : memref<79x128xi32, #tpu.memory_space<vmem>> -> memref<1x128xi32, #tpu.memory_space<vmem>>
      %dma_start3A_173 = tpu.memref_squeeze %dma_start3A_172 : memref<1x128xi32, #tpu.memory_space<vmem>> -> memref<128xi32, #tpu.memory_space<vmem>>
      %dma_start3A_174 = tpu.memref_slice %arg3[%dma_start3A_165, %mul3A_164] : memref<2x320000xi32, #tpu.memory_space<hbm>> -> memref<1x128xi32, #tpu.memory_space<hbm>>
      %dma_start3A_175 = tpu.memref_squeeze %dma_start3A_174 : memref<1x128xi32, #tpu.memory_space<hbm>> -> memref<128xi32, #tpu.memory_space<hbm>>
      tpu.enqueue_dma source(%dma_start3A_175 : memref<128xi32, #tpu.memory_space<hbm>>) target(%dma_start3A_173 : memref<128xi32, #tpu.memory_space<vmem>>) target_semaphore(%arg20 : memref<!tpu.dma_semaphore, #tpu.memory_space<semaphore_mem>>)
    }
    %mul3A_12 = arith.constant 640 : i32
    %mul3A_13 = arith.muli %arg1, %mul3A_12 : i32
    "tpu.region"() ({
      %run_scoped3A = tpu.sem_alloc : memref<!tpu.dma_semaphore, #tpu.memory_space<semaphore_mem>>
      %dma_start3A_159 = arith.constant 0 : i32
      %dma_start3A_160 = tpu.memref_slice %arg13[%mul3A_13, %dma_start3A_159] : memref<10240x128xf32, #tpu.memory_space<vmem_shared>> -> memref<640x128xf32, #tpu.memory_space<vmem_shared>>
      tpu.enqueue_dma source(%arg4 : memref<640x128xf32, #tpu.memory_space<hbm>>) target(%dma_start3A_160 : memref<640x128xf32, #tpu.memory_space<vmem_shared>>) target_semaphore(%run_scoped3A : memref<!tpu.dma_semaphore, #tpu.memory_space<semaphore_mem>>)
      %dma_wait3A_161 = arith.constant 0 : i32
      %dma_wait3A_162 = tpu.memref_slice %arg13[%mul3A_13, %dma_wait3A_161] : memref<10240x128xf32, #tpu.memory_space<vmem_shared>> -> memref<640x128xf32, #tpu.memory_space<vmem_shared>>
      tpu.wait_dma2 semaphore(%run_scoped3A : memref<!tpu.dma_semaphore, #tpu.memory_space<semaphore_mem>>) src(%arg4 : memref<640x128xf32, #tpu.memory_space<hbm>>) dst(%dma_wait3A_162 : memref<640x128xf32, #tpu.memory_space<vmem_shared>>)
      tpu.yield
    }) : () -> ()
    %eq3A = arith.constant 0 : i32
    %eq3A_14 = arith.cmpi eq, %arg1, %eq3A : i32
    %convert_element_type3A = arith.extui %eq3A_14 : i1 to i32
    %cond3A = arith.constant 0 : i32
    %cond3A_15 = arith.cmpi ne, %convert_element_type3A, %cond3A : i32
    scf.if %cond3A_15 {
      "tpu.region"() ({
        %run_scoped3A = tpu.sem_alloc : memref<!tpu.dma_semaphore, #tpu.memory_space<semaphore_mem>>
        tpu.enqueue_dma source(%arg5 : memref<10240xf32, #tpu.memory_space<hbm>>) target(%arg14 : memref<10240xf32, #tpu.memory_space<vmem_shared>>) target_semaphore(%run_scoped3A : memref<!tpu.dma_semaphore, #tpu.memory_space<semaphore_mem>>)
        tpu.wait_dma2 semaphore(%run_scoped3A : memref<!tpu.dma_semaphore, #tpu.memory_space<semaphore_mem>>) src(%arg5 : memref<10240xf32, #tpu.memory_space<hbm>>) dst(%arg14 : memref<10240xf32, #tpu.memory_space<vmem_shared>>)
        tpu.yield
      }) : () -> ()
    } else {
    }
    %broadcast_in_dim3A = arith.constant 1.000000e+00 : f32
    %broadcast_in_dim3A_16 = vector.broadcast %broadcast_in_dim3A : f32 to vector<16xf32>
    %swap3A = arith.constant 0 : index
    %swap3A_17 = tpu.vector_load %arg12[%swap3A] {strides = array<i32>} : memref<128xf32, #tpu.memory_space<vmem>>, vector<16xf32>,
    %swap3A_18 = vector.shape_cast %swap3A_17 : vector<16xf32> to vector<16xf32>
    %swap3A_19 = vector.shape_cast %broadcast_in_dim3A_16 : vector<16xf32> to vector<16xf32>
    tpu.vector_store %arg12[%swap3A], %swap3A_19 {strides = array<i32>} : memref<128xf32, #tpu.memory_space<vmem>>, vector<16xf32>,
    %broadcast_in_dim3A_20 = arith.constant 1.000000e+00 : f32
    %broadcast_in_dim3A_21 = vector.broadcast %broadcast_in_dim3A_20 : f32 to vector<16xf32>
    %swap3A_22 = arith.constant 16 : index
    %swap3A_23 = tpu.vector_load %arg12[%swap3A_22] {strides = array<i32>} : memref<128xf32, #tpu.memory_space<vmem>>, vector<16xf32>,
    %swap3A_24 = vector.shape_cast %swap3A_23 : vector<16xf32> to vector<16xf32>
    %swap3A_25 = vector.shape_cast %broadcast_in_dim3A_21 : vector<16xf32> to vector<16xf32>
    tpu.vector_store %arg12[%swap3A_22], %swap3A_25 {strides = array<i32>} : memref<128xf32, #tpu.memory_space<vmem>>, vector<16xf32>,
    %broadcast_in_dim3A_26 = arith.constant 1.000000e+00 : f32
    %broadcast_in_dim3A_27 = vector.broadcast %broadcast_in_dim3A_26 : f32 to vector<16xf32>
    %swap3A_28 = arith.constant 32 : index
    %swap3A_29 = tpu.vector_load %arg12[%swap3A_28] {strides = array<i32>} : memref<128xf32, #tpu.memory_space<vmem>>, vector<16xf32>,
    %swap3A_30 = vector.shape_cast %swap3A_29 : vector<16xf32> to vector<16xf32>
    %swap3A_31 = vector.shape_cast %broadcast_in_dim3A_27 : vector<16xf32> to vector<16xf32>
    tpu.vector_store %arg12[%swap3A_28], %swap3A_31 {strides = array<i32>} : memref<128xf32, #tpu.memory_space<vmem>>, vector<16xf32>,
    %broadcast_in_dim3A_32 = arith.constant 1.000000e+00 : f32
    %broadcast_in_dim3A_33 = vector.broadcast %broadcast_in_dim3A_32 : f32 to vector<16xf32>
    %swap3A_34 = arith.constant 48 : index
    %swap3A_35 = tpu.vector_load %arg12[%swap3A_34] {strides = array<i32>} : memref<128xf32, #tpu.memory_space<vmem>>, vector<16xf32>,
    %swap3A_36 = vector.shape_cast %swap3A_35 : vector<16xf32> to vector<16xf32>
    %swap3A_37 = vector.shape_cast %broadcast_in_dim3A_33 : vector<16xf32> to vector<16xf32>
    tpu.vector_store %arg12[%swap3A_34], %swap3A_37 {strides = array<i32>} : memref<128xf32, #tpu.memory_space<vmem>>, vector<16xf32>,
    %broadcast_in_dim3A_38 = arith.constant 1.000000e+00 : f32
    %broadcast_in_dim3A_39 = vector.broadcast %broadcast_in_dim3A_38 : f32 to vector<16xf32>
    %swap3A_40 = arith.constant 64 : index
    %swap3A_41 = tpu.vector_load %arg12[%swap3A_40] {strides = array<i32>} : memref<128xf32, #tpu.memory_space<vmem>>, vector<16xf32>,
    %swap3A_42 = vector.shape_cast %swap3A_41 : vector<16xf32> to vector<16xf32>
    %swap3A_43 = vector.shape_cast %broadcast_in_dim3A_39 : vector<16xf32> to vector<16xf32>
    tpu.vector_store %arg12[%swap3A_40], %swap3A_43 {strides = array<i32>} : memref<128xf32, #tpu.memory_space<vmem>>, vector<16xf32>,
    %broadcast_in_dim3A_44 = arith.constant 1.000000e+00 : f32
    %broadcast_in_dim3A_45 = vector.broadcast %broadcast_in_dim3A_44 : f32 to vector<16xf32>
    %swap3A_46 = arith.constant 80 : index
    %swap3A_47 = tpu.vector_load %arg12[%swap3A_46] {strides = array<i32>} : memref<128xf32, #tpu.memory_space<vmem>>, vector<16xf32>,
    %swap3A_48 = vector.shape_cast %swap3A_47 : vector<16xf32> to vector<16xf32>
    %swap3A_49 = vector.shape_cast %broadcast_in_dim3A_45 : vector<16xf32> to vector<16xf32>
    tpu.vector_store %arg12[%swap3A_46], %swap3A_49 {strides = array<i32>} : memref<128xf32, #tpu.memory_space<vmem>>, vector<16xf32>,
    %broadcast_in_dim3A_50 = arith.constant 1.000000e+00 : f32
    %broadcast_in_dim3A_51 = vector.broadcast %broadcast_in_dim3A_50 : f32 to vector<16xf32>
    %swap3A_52 = arith.constant 96 : index
    %swap3A_53 = tpu.vector_load %arg12[%swap3A_52] {strides = array<i32>} : memref<128xf32, #tpu.memory_space<vmem>>, vector<16xf32>,
    %swap3A_54 = vector.shape_cast %swap3A_53 : vector<16xf32> to vector<16xf32>
    %swap3A_55 = vector.shape_cast %broadcast_in_dim3A_51 : vector<16xf32> to vector<16xf32>
    tpu.vector_store %arg12[%swap3A_52], %swap3A_55 {strides = array<i32>} : memref<128xf32, #tpu.memory_space<vmem>>, vector<16xf32>,
    %broadcast_in_dim3A_56 = arith.constant 1.000000e+00 : f32
    %broadcast_in_dim3A_57 = vector.broadcast %broadcast_in_dim3A_56 : f32 to vector<16xf32>
    %swap3A_58 = arith.constant 112 : index
    %swap3A_59 = tpu.vector_load %arg12[%swap3A_58] {strides = array<i32>} : memref<128xf32, #tpu.memory_space<vmem>>, vector<16xf32>,
    %swap3A_60 = vector.shape_cast %swap3A_59 : vector<16xf32> to vector<16xf32>
    %swap3A_61 = vector.shape_cast %broadcast_in_dim3A_57 : vector<16xf32> to vector<16xf32>
    tpu.vector_store %arg12[%swap3A_58], %swap3A_61 {strides = array<i32>} : memref<128xf32, #tpu.memory_space<vmem>>, vector<16xf32>,
    %while3A_62 = arith.constant 0 : i32
    %while3A_63 = arith.constant 0 : i32
    %while3A_64 = arith.subi %select_n3A, %while3A_63 : i32
    %while3A_65 = arith.addi %while3A_63, %while3A_64 : i32
    %while3A_66 = arith.constant 1 : i32
    %while3A_67 = arith.divsi %while3A_64, %while3A_66 : i32
    %while3A_68 = arith.muli %while3A_67, %while3A_66 : i32
    %while3A_69 = arith.addi %while3A_63, %while3A_68 : i32
    %while3A_70 = arith.constant 1 : i32
    scf.for %while3A_159 = %while3A_63 to %while3A_69 step %while3A_70  : i32 {
      %dma_wait3A_160 = arith.constant 1 : i32
      %dma_wait3A_161 = arith.constant 0 : i32
      %dma_wait3A_162 = arith.constant 0 : i32
      %dma_wait3A_163 = tpu.memref_slice %arg8[%dma_wait3A_161, %dma_wait3A_162] : memref<79x128xi32, #tpu.memory_space<vmem>> -> memref<1x128xi32, #tpu.memory_space<vmem>>
      %dma_wait3A_164 = tpu.memref_squeeze %dma_wait3A_163 : memref<1x128xi32, #tpu.memory_space<vmem>> -> memref<128xi32, #tpu.memory_space<vmem>>
      %dma_wait3A_165 = arith.constant 0 : i32
      %dma_wait3A_166 = tpu.memref_slice %arg3[%dma_wait3A_160, %dma_wait3A_165] : memref<2x320000xi32, #tpu.memory_space<hbm>> -> memref<1x128xi32, #tpu.memory_space<hbm>>
      %dma_wait3A_167 = tpu.memref_squeeze %dma_wait3A_166 : memref<1x128xi32, #tpu.memory_space<hbm>> -> memref<128xi32, #tpu.memory_space<hbm>>
      %dma_wait3A_168 = arith.constant 0 : i32
      %dma_wait3A_169 = tpu.memref_slice %arg8[%dma_wait3A_161, %dma_wait3A_168] : memref<79x128xi32, #tpu.memory_space<vmem>> -> memref<1x128xi32, #tpu.memory_space<vmem>>
      %dma_wait3A_170 = tpu.memref_squeeze %dma_wait3A_169 : memref<1x128xi32, #tpu.memory_space<vmem>> -> memref<128xi32, #tpu.memory_space<vmem>>
      %dma_wait3A_171 = arith.constant 0 : i32
      %dma_wait3A_172 = tpu.memref_slice %arg3[%dma_wait3A_160, %dma_wait3A_171] : memref<2x320000xi32, #tpu.memory_space<hbm>> -> memref<1x128xi32, #tpu.memory_space<hbm>>
      %dma_wait3A_173 = tpu.memref_squeeze %dma_wait3A_172 : memref<1x128xi32, #tpu.memory_space<hbm>> -> memref<128xi32, #tpu.memory_space<hbm>>
      tpu.wait_dma2 semaphore(%arg20 : memref<!tpu.dma_semaphore, #tpu.memory_space<semaphore_mem>>) src(%dma_wait3A_173 : memref<128xi32, #tpu.memory_space<hbm>>) dst(%dma_wait3A_170 : memref<128xi32, #tpu.memory_space<vmem>>)
    }
    %while3A_71 = arith.constant 1 : i32
    scf.for %while3A_159 = %while3A_69 to %while3A_65 step %while3A_71  : i32 {
      %dma_wait3A_160 = arith.constant 1 : i32
      %dma_wait3A_161 = arith.constant 0 : i32
      %dma_wait3A_162 = arith.constant 0 : i32
      %dma_wait3A_163 = tpu.memref_slice %arg8[%dma_wait3A_161, %dma_wait3A_162] : memref<79x128xi32, #tpu.memory_space<vmem>> -> memref<1x128xi32, #tpu.memory_space<vmem>>
      %dma_wait3A_164 = tpu.memref_squeeze %dma_wait3A_163 : memref<1x128xi32, #tpu.memory_space<vmem>> -> memref<128xi32, #tpu.memory_space<vmem>>
      %dma_wait3A_165 = arith.constant 0 : i32
      %dma_wait3A_166 = tpu.memref_slice %arg3[%dma_wait3A_160, %dma_wait3A_165] : memref<2x320000xi32, #tpu.memory_space<hbm>> -> memref<1x128xi32, #tpu.memory_space<hbm>>
      %dma_wait3A_167 = tpu.memref_squeeze %dma_wait3A_166 : memref<1x128xi32, #tpu.memory_space<hbm>> -> memref<128xi32, #tpu.memory_space<hbm>>
      %dma_wait3A_168 = arith.constant 0 : i32
      %dma_wait3A_169 = tpu.memref_slice %arg8[%dma_wait3A_161, %dma_wait3A_168] : memref<79x128xi32, #tpu.memory_space<vmem>> -> memref<1x128xi32, #tpu.memory_space<vmem>>
      %dma_wait3A_170 = tpu.memref_squeeze %dma_wait3A_169 : memref<1x128xi32, #tpu.memory_space<vmem>> -> memref<128xi32, #tpu.memory_space<vmem>>
      %dma_wait3A_171 = arith.constant 0 : i32
      %dma_wait3A_172 = tpu.memref_slice %arg3[%dma_wait3A_160, %dma_wait3A_171] : memref<2x320000xi32, #tpu.memory_space<hbm>> -> memref<1x128xi32, #tpu.memory_space<hbm>>
      %dma_wait3A_173 = tpu.memref_squeeze %dma_wait3A_172 : memref<1x128xi32, #tpu.memory_space<hbm>> -> memref<128xi32, #tpu.memory_space<hbm>>
      tpu.wait_dma2 semaphore(%arg20 : memref<!tpu.dma_semaphore, #tpu.memory_space<semaphore_mem>>) src(%dma_wait3A_173 : memref<128xi32, #tpu.memory_space<hbm>>) dst(%dma_wait3A_170 : memref<128xi32, #tpu.memory_space<vmem>>)
    }
    %add3A_72 = arith.constant 0 : i32
    %add3A_73 = arith.addi %add3A_72, %add3A : i32
    %mul3A_74 = arith.constant 128 : i32
    %mul3A_75 = arith.muli %add3A_73, %mul3A_74 : i32
    %dma_start3A = arith.constant 0 : i32
    %dma_start3A_76 = arith.constant 0 : i32
    %dma_start3A_77 = arith.constant 0 : i32
    %dma_start3A_78 = tpu.memref_slice %arg9[%dma_start3A_76, %dma_start3A_77] : memref<2x128xi32, #tpu.memory_space<vmem>> -> memref<1x128xi32, #tpu.memory_space<vmem>>
    %dma_start3A_79 = tpu.memref_squeeze %dma_start3A_78 : memref<1x128xi32, #tpu.memory_space<vmem>> -> memref<128xi32, #tpu.memory_space<vmem>>
    %dma_start3A_80 = tpu.memref_slice %arg3[%dma_start3A, %mul3A_75] : memref<2x320000xi32, #tpu.memory_space<hbm>> -> memref<1x128xi32, #tpu.memory_space<hbm>>
    %dma_start3A_81 = tpu.memref_squeeze %dma_start3A_80 : memref<1x128xi32, #tpu.memory_space<hbm>> -> memref<128xi32, #tpu.memory_space<hbm>>
    %dma_start3A_82 = arith.constant 0 : i32
    %dma_start3A_83 = tpu.memref_slice %arg9[%dma_start3A_76, %dma_start3A_82] : memref<2x128xi32, #tpu.memory_space<vmem>> -> memref<1x128xi32, #tpu.memory_space<vmem>>
    %dma_start3A_84 = tpu.memref_squeeze %dma_start3A_83 : memref<1x128xi32, #tpu.memory_space<vmem>> -> memref<128xi32, #tpu.memory_space<vmem>>
    %dma_start3A_85 = tpu.memref_slice %arg3[%dma_start3A, %mul3A_75] : memref<2x320000xi32, #tpu.memory_space<hbm>> -> memref<1x128xi32, #tpu.memory_space<hbm>>
    %dma_start3A_86 = tpu.memref_squeeze %dma_start3A_85 : memref<1x128xi32, #tpu.memory_space<hbm>> -> memref<128xi32, #tpu.memory_space<hbm>>
    tpu.enqueue_dma source(%dma_start3A_86 : memref<128xi32, #tpu.memory_space<hbm>>) target(%dma_start3A_84 : memref<128xi32, #tpu.memory_space<vmem>>) target_semaphore(%arg15 : memref<!tpu.dma_semaphore, #tpu.memory_space<semaphore_mem>>)
    %dma_wait3A = arith.constant 0 : i32
    %dma_wait3A_87 = arith.constant 0 : i32
    %dma_wait3A_88 = arith.constant 0 : i32
    %dma_wait3A_89 = tpu.memref_slice %arg9[%dma_wait3A_87, %dma_wait3A_88] : memref<2x128xi32, #tpu.memory_space<vmem>> -> memref<1x128xi32, #tpu.memory_space<vmem>>
    %dma_wait3A_90 = tpu.memref_squeeze %dma_wait3A_89 : memref<1x128xi32, #tpu.memory_space<vmem>> -> memref<128xi32, #tpu.memory_space<vmem>>
    %dma_wait3A_91 = arith.constant 0 : i32
    %dma_wait3A_92 = tpu.memref_slice %arg3[%dma_wait3A, %dma_wait3A_91] : memref<2x320000xi32, #tpu.memory_space<hbm>> -> memref<1x128xi32, #tpu.memory_space<hbm>>
    %dma_wait3A_93 = tpu.memref_squeeze %dma_wait3A_92 : memref<1x128xi32, #tpu.memory_space<hbm>> -> memref<128xi32, #tpu.memory_space<hbm>>
    %dma_wait3A_94 = arith.constant 0 : i32
    %dma_wait3A_95 = tpu.memref_slice %arg9[%dma_wait3A_87, %dma_wait3A_94] : memref<2x128xi32, #tpu.memory_space<vmem>> -> memref<1x128xi32, #tpu.memory_space<vmem>>
    %dma_wait3A_96 = tpu.memref_squeeze %dma_wait3A_95 : memref<1x128xi32, #tpu.memory_space<vmem>> -> memref<128xi32, #tpu.memory_space<vmem>>
    %dma_wait3A_97 = arith.constant 0 : i32
    %dma_wait3A_98 = tpu.memref_slice %arg3[%dma_wait3A, %dma_wait3A_97] : memref<2x320000xi32, #tpu.memory_space<hbm>> -> memref<1x128xi32, #tpu.memory_space<hbm>>
    %dma_wait3A_99 = tpu.memref_squeeze %dma_wait3A_98 : memref<1x128xi32, #tpu.memory_space<hbm>> -> memref<128xi32, #tpu.memory_space<hbm>>
    tpu.wait_dma2 semaphore(%arg15 : memref<!tpu.dma_semaphore, #tpu.memory_space<semaphore_mem>>) src(%dma_wait3A_99 : memref<128xi32, #tpu.memory_space<hbm>>) dst(%dma_wait3A_96 : memref<128xi32, #tpu.memory_space<vmem>>)
    %dma_start3A_100 = arith.constant 0 : i32
    %dma_start3A_101 = arith.constant 0 : i32
    %dma_start3A_102 = tpu.memref_slice %arg9[%dma_start3A_100, %dma_start3A_101] : memref<2x128xi32, #tpu.memory_space<vmem>> -> memref<1x128xi32, #tpu.memory_space<vmem>>
    %dma_start3A_103 = tpu.memref_squeeze %dma_start3A_102 : memref<1x128xi32, #tpu.memory_space<vmem>> -> memref<128xi32, #tpu.memory_space<vmem>>
    %dma_start3A_104 = arith.constant 0 : i32
    %dma_start3A_105 = arith.constant 0 : i32
    %dma_start3A_106 = tpu.memref_slice %arg2[%dma_start3A_104, %dma_start3A_105] : memref<10000x128xf32, #tpu.memory_space<hbm>> -> memref<10000x128xf32, #tpu.memory_space<hbm>>
    tpu.enqueue_indirect_dma source(%dma_start3A_106 : memref<10000x128xf32, #tpu.memory_space<hbm>>) target(%arg10 : memref<128x128xf32, #tpu.memory_space<vmem>>) offsets(%dma_start3A_103 : memref<128xi32, #tpu.memory_space<vmem>>) semaphore(%arg17 : memref<!tpu.dma_semaphore, #tpu.memory_space<semaphore_mem>>)
    %add3A_107 = arith.constant 32 : i32
    %add3A_108 = arith.addi %add3A_107, %add3A : i32
    %mul3A_109 = arith.constant 128 : i32
    %mul3A_110 = arith.muli %add3A_108, %mul3A_109 : i32
    %dma_start3A_111 = arith.constant 0 : i32
    %dma_start3A_112 = arith.constant 1 : i32
    %dma_start3A_113 = arith.constant 0 : i32
    %dma_start3A_114 = tpu.memref_slice %arg9[%dma_start3A_112, %dma_start3A_113] : memref<2x128xi32, #tpu.memory_space<vmem>> -> memref<1x128xi32, #tpu.memory_space<vmem>>
    %dma_start3A_115 = tpu.memref_squeeze %dma_start3A_114 : memref<1x128xi32, #tpu.memory_space<vmem>> -> memref<128xi32, #tpu.memory_space<vmem>>
    %dma_start3A_116 = tpu.memref_slice %arg3[%dma_start3A_111, %mul3A_110] : memref<2x320000xi32, #tpu.memory_space<hbm>> -> memref<1x128xi32, #tpu.memory_space<hbm>>
    %dma_start3A_117 = tpu.memref_squeeze %dma_start3A_116 : memref<1x128xi32, #tpu.memory_space<hbm>> -> memref<128xi32, #tpu.memory_space<hbm>>
    %dma_start3A_118 = arith.constant 0 : i32
    %dma_start3A_119 = tpu.memref_slice %arg9[%dma_start3A_112, %dma_start3A_118] : memref<2x128xi32, #tpu.memory_space<vmem>> -> memref<1x128xi32, #tpu.memory_space<vmem>>
    %dma_start3A_120 = tpu.memref_squeeze %dma_start3A_119 : memref<1x128xi32, #tpu.memory_space<vmem>> -> memref<128xi32, #tpu.memory_space<vmem>>
    %dma_start3A_121 = tpu.memref_slice %arg3[%dma_start3A_111, %mul3A_110] : memref<2x320000xi32, #tpu.memory_space<hbm>> -> memref<1x128xi32, #tpu.memory_space<hbm>>
    %dma_start3A_122 = tpu.memref_squeeze %dma_start3A_121 : memref<1x128xi32, #tpu.memory_space<hbm>> -> memref<128xi32, #tpu.memory_space<hbm>>
    tpu.enqueue_dma source(%dma_start3A_122 : memref<128xi32, #tpu.memory_space<hbm>>) target(%dma_start3A_120 : memref<128xi32, #tpu.memory_space<vmem>>) target_semaphore(%arg16 : memref<!tpu.dma_semaphore, #tpu.memory_space<semaphore_mem>>)
    %barrier3A = arith.constant 0 : index
    tpu.barrier barrier_id(%barrier3A)
    %scan3A = arith.constant 0 : i32
    %scan3A_123 = arith.constant 0 : i32
    %scan3A_124 = arith.constant 39 : i32
    %scan3A_125 = arith.addi %scan3A_123, %scan3A_124 : i32
    %scan3A_126 = arith.constant 1 : i32
    scf.for %scan3A_159 = %scan3A_123 to %scan3A_125 step %scan3A_126  : i32 {
      %mul3A_160 = arith.constant 2 : i32
      %mul3A_161 = arith.muli %mul3A_160, %scan3A_159 : i32
      %dma_wait3A_162 = arith.constant 0 : i32
      %dma_wait3A_163 = arith.constant 0 : i32
      %dma_wait3A_164 = tpu.memref_slice %arg2[%dma_wait3A_162, %dma_wait3A_163] : memref<10000x128xf32, #tpu.memory_space<hbm>> -> memref<128x128xf32, #tpu.memory_space<hbm>>
      %dma_wait3A_165 = arith.constant 0 : i32
      %dma_wait3A_166 = arith.constant 0 : i32
      %dma_wait3A_167 = tpu.memref_slice %arg2[%dma_wait3A_165, %dma_wait3A_166] : memref<10000x128xf32, #tpu.memory_space<hbm>> -> memref<128x128xf32, #tpu.memory_space<hbm>>
      tpu.wait_dma2 semaphore(%arg17 : memref<!tpu.dma_semaphore, #tpu.memory_space<semaphore_mem>>) src(%dma_wait3A_167 : memref<128x128xf32, #tpu.memory_space<hbm>>) dst(%arg10 : memref<128x128xf32, #tpu.memory_space<vmem>>)
      %add3A_168 = arith.constant 2 : i32
      %add3A_169 = arith.addi %mul3A_161, %add3A_168 : i32
      %lt3A_170 = arith.cmpi slt, %add3A_169, %select_n3A : i32
      %convert_element_type3A_171 = arith.extui %lt3A_170 : i1 to i32
      %cond3A_172 = arith.constant 0 : i32
      %cond3A_173 = arith.cmpi ne, %convert_element_type3A_171, %cond3A_172 : i32
      scf.if %cond3A_173 {
        %add3A_247 = arith.constant 2 : i32
        %add3A_248 = arith.addi %mul3A_161, %add3A_247 : i32
        %mul3A_249 = arith.constant 32 : i32
        %mul3A_250 = arith.muli %add3A_248, %mul3A_249 : i32
        %add3A_251 = arith.addi %mul3A_250, %add3A : i32
        %mul3A_252 = arith.constant 128 : i32
        %mul3A_253 = arith.muli %add3A_251, %mul3A_252 : i32
        %dma_start3A_254 = arith.constant 0 : i32
        %dma_start3A_255 = arith.constant 0 : i32
        %dma_start3A_256 = arith.constant 0 : i32
        %dma_start3A_257 = tpu.memref_slice %arg9[%dma_start3A_255, %dma_start3A_256] : memref<2x128xi32, #tpu.memory_space<vmem>> -> memref<1x128xi32, #tpu.memory_space<vmem>>
        %dma_start3A_258 = tpu.memref_squeeze %dma_start3A_257 : memref<1x128xi32, #tpu.memory_space<vmem>> -> memref<128xi32, #tpu.memory_space<vmem>>
        %dma_start3A_259 = tpu.memref_slice %arg3[%dma_start3A_254, %mul3A_253] : memref<2x320000xi32, #tpu.memory_space<hbm>> -> memref<1x128xi32, #tpu.memory_space<hbm>>
        %dma_start3A_260 = tpu.memref_squeeze %dma_start3A_259 : memref<1x128xi32, #tpu.memory_space<hbm>> -> memref<128xi32, #tpu.memory_space<hbm>>
        %dma_start3A_261 = arith.constant 0 : i32
        %dma_start3A_262 = tpu.memref_slice %arg9[%dma_start3A_255, %dma_start3A_261] : memref<2x128xi32, #tpu.memory_space<vmem>> -> memref<1x128xi32, #tpu.memory_space<vmem>>
        %dma_start3A_263 = tpu.memref_squeeze %dma_start3A_262 : memref<1x128xi32, #tpu.memory_space<vmem>> -> memref<128xi32, #tpu.memory_space<vmem>>
        %dma_start3A_264 = tpu.memref_slice %arg3[%dma_start3A_254, %mul3A_253] : memref<2x320000xi32, #tpu.memory_space<hbm>> -> memref<1x128xi32, #tpu.memory_space<hbm>>
        %dma_start3A_265 = tpu.memref_squeeze %dma_start3A_264 : memref<1x128xi32, #tpu.memory_space<hbm>> -> memref<128xi32, #tpu.memory_space<hbm>>
        tpu.enqueue_dma source(%dma_start3A_265 : memref<128xi32, #tpu.memory_space<hbm>>) target(%dma_start3A_263 : memref<128xi32, #tpu.memory_space<vmem>>) target_semaphore(%arg15 : memref<!tpu.dma_semaphore, #tpu.memory_space<semaphore_mem>>)
      } else {
      }
      %dma_start3A_174 = arith.constant 0 : i32
      %dma_start3A_175 = tpu.memref_slice %arg8[%mul3A_161, %dma_start3A_174] : memref<79x128xi32, #tpu.memory_space<vmem>> -> memref<1x128xi32, #tpu.memory_space<vmem>>
      %dma_start3A_176 = tpu.memref_squeeze %dma_start3A_175 : memref<1x128xi32, #tpu.memory_space<vmem>> -> memref<128xi32, #tpu.memory_space<vmem>>
      %dma_start3A_177 = arith.constant 0 : i32
      %dma_start3A_178 = arith.constant 0 : i32
      %dma_start3A_179 = tpu.memref_slice %arg13[%dma_start3A_177, %dma_start3A_178] : memref<10240x128xf32, #tpu.memory_space<vmem_shared>> -> memref<10240x128xf32, #tpu.memory_space<vmem_shared>>
      tpu.enqueue_indirect_dma source(%arg10 : memref<128x128xf32, #tpu.memory_space<vmem>>) target(%dma_start3A_179 : memref<10240x128xf32, #tpu.memory_space<vmem_shared>>) offsets(%dma_start3A_176 : memref<128xi32, #tpu.memory_space<vmem>>) semaphore(%arg21 : memref<!tpu.dma_semaphore, #tpu.memory_space<semaphore_mem>>) {add = true}
      %dma_start3A_180 = arith.constant 0 : i32
      %dma_start3A_181 = tpu.memref_slice %arg8[%mul3A_161, %dma_start3A_180] : memref<79x128xi32, #tpu.memory_space<vmem>> -> memref<1x128xi32, #tpu.memory_space<vmem>>
      %dma_start3A_182 = tpu.memref_squeeze %dma_start3A_181 : memref<1x128xi32, #tpu.memory_space<vmem>> -> memref<128xi32, #tpu.memory_space<vmem>>
      %dma_start3A_183 = arith.constant 0 : i32
      %dma_start3A_184 = tpu.memref_slice %arg14[%dma_start3A_183] : memref<10240xf32, #tpu.memory_space<vmem_shared>> -> memref<10240xf32, #tpu.memory_space<vmem_shared>>
      tpu.enqueue_indirect_dma source(%arg12 : memref<128xf32, #tpu.memory_space<vmem>>) target(%dma_start3A_184 : memref<10240xf32, #tpu.memory_space<vmem_shared>>) offsets(%dma_start3A_182 : memref<128xi32, #tpu.memory_space<vmem>>) semaphore(%arg19 : memref<!tpu.dma_semaphore, #tpu.memory_space<semaphore_mem>>) {add = true}
      %gt3A = arith.constant 0 : i32
      %gt3A_185 = arith.cmpi sgt, %scan3A_159, %gt3A : i32
      %convert_element_type3A_186 = arith.extui %gt3A_185 : i1 to i32
      %cond3A_187 = arith.constant 0 : i32
      %cond3A_188 = arith.cmpi ne, %convert_element_type3A_186, %cond3A_187 : i32
      scf.if %cond3A_188 {
        %dma_wait3A_247 = arith.constant 0 : i32
        %dma_wait3A_248 = arith.constant 0 : i32
        %dma_wait3A_249 = tpu.memref_slice %arg2[%dma_wait3A_247, %dma_wait3A_248] : memref<10000x128xf32, #tpu.memory_space<hbm>> -> memref<128x128xf32, #tpu.memory_space<hbm>>
        %dma_wait3A_250 = arith.constant 0 : i32
        %dma_wait3A_251 = arith.constant 0 : i32
        %dma_wait3A_252 = tpu.memref_slice %arg2[%dma_wait3A_250, %dma_wait3A_251] : memref<10000x128xf32, #tpu.memory_space<hbm>> -> memref<128x128xf32, #tpu.memory_space<hbm>>
        tpu.wait_dma2 semaphore(%arg22 : memref<!tpu.dma_semaphore, #tpu.memory_space<semaphore_mem>>) src(%dma_wait3A_252 : memref<128x128xf32, #tpu.memory_space<hbm>>) dst(%arg11 : memref<128x128xf32, #tpu.memory_space<vmem>>)
      } else {
      }
      %dma_wait3A_189 = arith.constant 0 : i32
      %dma_wait3A_190 = arith.constant 1 : i32
      %dma_wait3A_191 = arith.constant 0 : i32
      %dma_wait3A_192 = tpu.memref_slice %arg9[%dma_wait3A_190, %dma_wait3A_191] : memref<2x128xi32, #tpu.memory_space<vmem>> -> memref<1x128xi32, #tpu.memory_space<vmem>>
      %dma_wait3A_193 = tpu.memref_squeeze %dma_wait3A_192 : memref<1x128xi32, #tpu.memory_space<vmem>> -> memref<128xi32, #tpu.memory_space<vmem>>
      %dma_wait3A_194 = arith.constant 0 : i32
      %dma_wait3A_195 = tpu.memref_slice %arg3[%dma_wait3A_189, %dma_wait3A_194] : memref<2x320000xi32, #tpu.memory_space<hbm>> -> memref<1x128xi32, #tpu.memory_space<hbm>>
      %dma_wait3A_196 = tpu.memref_squeeze %dma_wait3A_195 : memref<1x128xi32, #tpu.memory_space<hbm>> -> memref<128xi32, #tpu.memory_space<hbm>>
      %dma_wait3A_197 = arith.constant 0 : i32
      %dma_wait3A_198 = tpu.memref_slice %arg9[%dma_wait3A_190, %dma_wait3A_197] : memref<2x128xi32, #tpu.memory_space<vmem>> -> memref<1x128xi32, #tpu.memory_space<vmem>>
      %dma_wait3A_199 = tpu.memref_squeeze %dma_wait3A_198 : memref<1x128xi32, #tpu.memory_space<vmem>> -> memref<128xi32, #tpu.memory_space<vmem>>
      %dma_wait3A_200 = arith.constant 0 : i32
      %dma_wait3A_201 = tpu.memref_slice %arg3[%dma_wait3A_189, %dma_wait3A_200] : memref<2x320000xi32, #tpu.memory_space<hbm>> -> memref<1x128xi32, #tpu.memory_space<hbm>>
      %dma_wait3A_202 = tpu.memref_squeeze %dma_wait3A_201 : memref<1x128xi32, #tpu.memory_space<hbm>> -> memref<128xi32, #tpu.memory_space<hbm>>
      tpu.wait_dma2 semaphore(%arg16 : memref<!tpu.dma_semaphore, #tpu.memory_space<semaphore_mem>>) src(%dma_wait3A_202 : memref<128xi32, #tpu.memory_space<hbm>>) dst(%dma_wait3A_199 : memref<128xi32, #tpu.memory_space<vmem>>)
      %dma_start3A_203 = arith.constant 1 : i32
      %dma_start3A_204 = arith.constant 0 : i32
      %dma_start3A_205 = tpu.memref_slice %arg9[%dma_start3A_203, %dma_start3A_204] : memref<2x128xi32, #tpu.memory_space<vmem>> -> memref<1x128xi32, #tpu.memory_space<vmem>>
      %dma_start3A_206 = tpu.memref_squeeze %dma_start3A_205 : memref<1x128xi32, #tpu.memory_space<vmem>> -> memref<128xi32, #tpu.memory_space<vmem>>
      %dma_start3A_207 = arith.constant 0 : i32
      %dma_start3A_208 = arith.constant 0 : i32
      %dma_start3A_209 = tpu.memref_slice %arg2[%dma_start3A_207, %dma_start3A_208] : memref<10000x128xf32, #tpu.memory_space<hbm>> -> memref<10000x128xf32, #tpu.memory_space<hbm>>
      tpu.enqueue_indirect_dma source(%dma_start3A_209 : memref<10000x128xf32, #tpu.memory_space<hbm>>) target(%arg11 : memref<128x128xf32, #tpu.memory_space<vmem>>) offsets(%dma_start3A_206 : memref<128xi32, #tpu.memory_space<vmem>>) semaphore(%arg18 : memref<!tpu.dma_semaphore, #tpu.memory_space<semaphore_mem>>)
      %dma_wait3A_210 = arith.constant 0 : i32
      %dma_wait3A_211 = arith.constant 0 : i32
      %dma_wait3A_212 = tpu.memref_slice %arg2[%dma_wait3A_210, %dma_wait3A_211] : memref<10000x128xf32, #tpu.memory_space<hbm>> -> memref<128x128xf32, #tpu.memory_space<hbm>>
      %dma_wait3A_213 = arith.constant 0 : i32
      %dma_wait3A_214 = arith.constant 0 : i32
      %dma_wait3A_215 = tpu.memref_slice %arg2[%dma_wait3A_213, %dma_wait3A_214] : memref<10000x128xf32, #tpu.memory_space<hbm>> -> memref<128x128xf32, #tpu.memory_space<hbm>>
      tpu.wait_dma2 semaphore(%arg18 : memref<!tpu.dma_semaphore, #tpu.memory_space<semaphore_mem>>) src(%dma_wait3A_215 : memref<128x128xf32, #tpu.memory_space<hbm>>) dst(%arg11 : memref<128x128xf32, #tpu.memory_space<vmem>>)
      %add3A_216 = arith.constant 3 : i32
      %add3A_217 = arith.addi %mul3A_161, %add3A_216 : i32
      %lt3A_218 = arith.cmpi slt, %add3A_217, %select_n3A : i32
      %convert_element_type3A_219 = arith.extui %lt3A_218 : i1 to i32
      %cond3A_220 = arith.constant 0 : i32
      %cond3A_221 = arith.cmpi ne, %convert_element_type3A_219, %cond3A_220 : i32
      scf.if %cond3A_221 {
        %add3A_247 = arith.constant 3 : i32
        %add3A_248 = arith.addi %mul3A_161, %add3A_247 : i32
        %mul3A_249 = arith.constant 32 : i32
        %mul3A_250 = arith.muli %add3A_248, %mul3A_249 : i32
        %add3A_251 = arith.addi %mul3A_250, %add3A : i32
        %mul3A_252 = arith.constant 128 : i32
        %mul3A_253 = arith.muli %add3A_251, %mul3A_252 : i32
        %dma_start3A_254 = arith.constant 0 : i32
        %dma_start3A_255 = arith.constant 1 : i32
        %dma_start3A_256 = arith.constant 0 : i32
        %dma_start3A_257 = tpu.memref_slice %arg9[%dma_start3A_255, %dma_start3A_256] : memref<2x128xi32, #tpu.memory_space<vmem>> -> memref<1x128xi32, #tpu.memory_space<vmem>>
        %dma_start3A_258 = tpu.memref_squeeze %dma_start3A_257 : memref<1x128xi32, #tpu.memory_space<vmem>> -> memref<128xi32, #tpu.memory_space<vmem>>
        %dma_start3A_259 = tpu.memref_slice %arg3[%dma_start3A_254, %mul3A_253] : memref<2x320000xi32, #tpu.memory_space<hbm>> -> memref<1x128xi32, #tpu.memory_space<hbm>>
        %dma_start3A_260 = tpu.memref_squeeze %dma_start3A_259 : memref<1x128xi32, #tpu.memory_space<hbm>> -> memref<128xi32, #tpu.memory_space<hbm>>
        %dma_start3A_261 = arith.constant 0 : i32
        %dma_start3A_262 = tpu.memref_slice %arg9[%dma_start3A_255, %dma_start3A_261] : memref<2x128xi32, #tpu.memory_space<vmem>> -> memref<1x128xi32, #tpu.memory_space<vmem>>
        %dma_start3A_263 = tpu.memref_squeeze %dma_start3A_262 : memref<1x128xi32, #tpu.memory_space<vmem>> -> memref<128xi32, #tpu.memory_space<vmem>>
        %dma_start3A_264 = tpu.memref_slice %arg3[%dma_start3A_254, %mul3A_253] : memref<2x320000xi32, #tpu.memory_space<hbm>> -> memref<1x128xi32, #tpu.memory_space<hbm>>
        %dma_start3A_265 = tpu.memref_squeeze %dma_start3A_264 : memref<1x128xi32, #tpu.memory_space<hbm>> -> memref<128xi32, #tpu.memory_space<hbm>>
        tpu.enqueue_dma source(%dma_start3A_265 : memref<128xi32, #tpu.memory_space<hbm>>) target(%dma_start3A_263 : memref<128xi32, #tpu.memory_space<vmem>>) target_semaphore(%arg16 : memref<!tpu.dma_semaphore, #tpu.memory_space<semaphore_mem>>)
      } else {
      }
      %add3A_222 = arith.constant 1 : i32
      %add3A_223 = arith.addi %mul3A_161, %add3A_222 : i32
      %dma_start3A_224 = arith.constant 0 : i32
      %dma_start3A_225 = tpu.memref_slice %arg8[%add3A_223, %dma_start3A_224] : memref<79x128xi32, #tpu.memory_space<vmem>> -> memref<1x128xi32, #tpu.memory_space<vmem>>
      %dma_start3A_226 = tpu.memref_squeeze %dma_start3A_225 : memref<1x128xi32, #tpu.memory_space<vmem>> -> memref<128xi32, #tpu.memory_space<vmem>>
      %dma_start3A_227 = arith.constant 0 : i32
      %dma_start3A_228 = arith.constant 0 : i32
      %dma_start3A_229 = tpu.memref_slice %arg13[%dma_start3A_227, %dma_start3A_228] : memref<10240x128xf32, #tpu.memory_space<vmem_shared>> -> memref<10240x128xf32, #tpu.memory_space<vmem_shared>>
      tpu.enqueue_indirect_dma source(%arg11 : memref<128x128xf32, #tpu.memory_space<vmem>>) target(%dma_start3A_229 : memref<10240x128xf32, #tpu.memory_space<vmem_shared>>) offsets(%dma_start3A_226 : memref<128xi32, #tpu.memory_space<vmem>>) semaphore(%arg22 : memref<!tpu.dma_semaphore, #tpu.memory_space<semaphore_mem>>) {add = true}
      %dma_start3A_230 = arith.constant 0 : i32
      %dma_start3A_231 = tpu.memref_slice %arg8[%add3A_223, %dma_start3A_230] : memref<79x128xi32, #tpu.memory_space<vmem>> -> memref<1x128xi32, #tpu.memory_space<vmem>>
      %dma_start3A_232 = tpu.memref_squeeze %dma_start3A_231 : memref<1x128xi32, #tpu.memory_space<vmem>> -> memref<128xi32, #tpu.memory_space<vmem>>
      %dma_start3A_233 = arith.constant 0 : i32
      %dma_start3A_234 = tpu.memref_slice %arg14[%dma_start3A_233] : memref<10240xf32, #tpu.memory_space<vmem_shared>> -> memref<10240xf32, #tpu.memory_space<vmem_shared>>
      tpu.enqueue_indirect_dma source(%arg12 : memref<128xf32, #tpu.memory_space<vmem>>) target(%dma_start3A_234 : memref<10240xf32, #tpu.memory_space<vmem_shared>>) offsets(%dma_start3A_232 : memref<128xi32, #tpu.memory_space<vmem>>) semaphore(%arg19 : memref<!tpu.dma_semaphore, #tpu.memory_space<semaphore_mem>>) {add = true}
      %dma_wait3A_235 = arith.constant 0 : i32
      %dma_wait3A_236 = arith.constant 0 : i32
      %dma_wait3A_237 = tpu.memref_slice %arg2[%dma_wait3A_235, %dma_wait3A_236] : memref<10000x128xf32, #tpu.memory_space<hbm>> -> memref<128x128xf32, #tpu.memory_space<hbm>>
      %dma_wait3A_238 = arith.constant 0 : i32
      %dma_wait3A_239 = arith.constant 0 : i32
      %dma_wait3A_240 = tpu.memref_slice %arg2[%dma_wait3A_238, %dma_wait3A_239] : memref<10000x128xf32, #tpu.memory_space<hbm>> -> memref<128x128xf32, #tpu.memory_space<hbm>>
      tpu.wait_dma2 semaphore(%arg21 : memref<!tpu.dma_semaphore, #tpu.memory_space<semaphore_mem>>) src(%dma_wait3A_240 : memref<128x128xf32, #tpu.memory_space<hbm>>) dst(%arg10 : memref<128x128xf32, #tpu.memory_space<vmem>>)
      %add3A_241 = arith.constant 2 : i32
      %add3A_242 = arith.addi %mul3A_161, %add3A_241 : i32
      %lt3A_243 = arith.cmpi slt, %add3A_242, %select_n3A : i32
      %convert_element_type3A_244 = arith.extui %lt3A_243 : i1 to i32
      %cond3A_245 = arith.constant 0 : i32
      %cond3A_246 = arith.cmpi ne, %convert_element_type3A_244, %cond3A_245 : i32
      scf.if %cond3A_246 {
        %dma_wait3A_247 = arith.constant 0 : i32
        %dma_wait3A_248 = arith.constant 0 : i32
        %dma_wait3A_249 = arith.constant 0 : i32
        %dma_wait3A_250 = tpu.memref_slice %arg9[%dma_wait3A_248, %dma_wait3A_249] : memref<2x128xi32, #tpu.memory_space<vmem>> -> memref<1x128xi32, #tpu.memory_space<vmem>>
        %dma_wait3A_251 = tpu.memref_squeeze %dma_wait3A_250 : memref<1x128xi32, #tpu.memory_space<vmem>> -> memref<128xi32, #tpu.memory_space<vmem>>
        %dma_wait3A_252 = arith.constant 0 : i32
        %dma_wait3A_253 = tpu.memref_slice %arg3[%dma_wait3A_247, %dma_wait3A_252] : memref<2x320000xi32, #tpu.memory_space<hbm>> -> memref<1x128xi32, #tpu.memory_space<hbm>>
        %dma_wait3A_254 = tpu.memref_squeeze %dma_wait3A_253 : memref<1x128xi32, #tpu.memory_space<hbm>> -> memref<128xi32, #tpu.memory_space<hbm>>
        %dma_wait3A_255 = arith.constant 0 : i32
        %dma_wait3A_256 = tpu.memref_slice %arg9[%dma_wait3A_248, %dma_wait3A_255] : memref<2x128xi32, #tpu.memory_space<vmem>> -> memref<1x128xi32, #tpu.memory_space<vmem>>
        %dma_wait3A_257 = tpu.memref_squeeze %dma_wait3A_256 : memref<1x128xi32, #tpu.memory_space<vmem>> -> memref<128xi32, #tpu.memory_space<vmem>>
        %dma_wait3A_258 = arith.constant 0 : i32
        %dma_wait3A_259 = tpu.memref_slice %arg3[%dma_wait3A_247, %dma_wait3A_258] : memref<2x320000xi32, #tpu.memory_space<hbm>> -> memref<1x128xi32, #tpu.memory_space<hbm>>
        %dma_wait3A_260 = tpu.memref_squeeze %dma_wait3A_259 : memref<1x128xi32, #tpu.memory_space<hbm>> -> memref<128xi32, #tpu.memory_space<hbm>>
        tpu.wait_dma2 semaphore(%arg15 : memref<!tpu.dma_semaphore, #tpu.memory_space<semaphore_mem>>) src(%dma_wait3A_260 : memref<128xi32, #tpu.memory_space<hbm>>) dst(%dma_wait3A_257 : memref<128xi32, #tpu.memory_space<vmem>>)
        %dma_start3A_261 = arith.constant 0 : i32
        %dma_start3A_262 = arith.constant 0 : i32
        %dma_start3A_263 = tpu.memref_slice %arg9[%dma_start3A_261, %dma_start3A_262] : memref<2x128xi32, #tpu.memory_space<vmem>> -> memref<1x128xi32, #tpu.memory_space<vmem>>
        %dma_start3A_264 = tpu.memref_squeeze %dma_start3A_263 : memref<1x128xi32, #tpu.memory_space<vmem>> -> memref<128xi32, #tpu.memory_space<vmem>>
        %dma_start3A_265 = arith.constant 0 : i32
        %dma_start3A_266 = arith.constant 0 : i32
        %dma_start3A_267 = tpu.memref_slice %arg2[%dma_start3A_265, %dma_start3A_266] : memref<10000x128xf32, #tpu.memory_space<hbm>> -> memref<10000x128xf32, #tpu.memory_space<hbm>>
        tpu.enqueue_indirect_dma source(%dma_start3A_267 : memref<10000x128xf32, #tpu.memory_space<hbm>>) target(%arg10 : memref<128x128xf32, #tpu.memory_space<vmem>>) offsets(%dma_start3A_264 : memref<128xi32, #tpu.memory_space<vmem>>) semaphore(%arg17 : memref<!tpu.dma_semaphore, #tpu.memory_space<semaphore_mem>>)
      } else {
      }
    }
    %scan3A_127 = arith.constant 39 : i32
    %eq3A_128 = arith.constant 79 : i32
    %eq3A_129 = arith.cmpi eq, %select_n3A, %eq3A_128 : i32
    %convert_element_type3A_130 = arith.extui %eq3A_129 : i1 to i32
    %cond3A_131 = arith.constant 0 : i32
    %cond3A_132 = arith.cmpi ne, %convert_element_type3A_130, %cond3A_131 : i32
    scf.if %cond3A_132 {
      %dma_wait3A_159 = arith.constant 0 : i32
      %dma_wait3A_160 = arith.constant 0 : i32
      %dma_wait3A_161 = tpu.memref_slice %arg2[%dma_wait3A_159, %dma_wait3A_160] : memref<10000x128xf32, #tpu.memory_space<hbm>> -> memref<128x128xf32, #tpu.memory_space<hbm>>
      %dma_wait3A_162 = arith.constant 0 : i32
      %dma_wait3A_163 = arith.constant 0 : i32
      %dma_wait3A_164 = tpu.memref_slice %arg2[%dma_wait3A_162, %dma_wait3A_163] : memref<10000x128xf32, #tpu.memory_space<hbm>> -> memref<128x128xf32, #tpu.memory_space<hbm>>
      tpu.wait_dma2 semaphore(%arg17 : memref<!tpu.dma_semaphore, #tpu.memory_space<semaphore_mem>>) src(%dma_wait3A_164 : memref<128x128xf32, #tpu.memory_space<hbm>>) dst(%arg10 : memref<128x128xf32, #tpu.memory_space<vmem>>)
      %dma_start3A_165 = arith.constant 78 : i32
      %dma_start3A_166 = arith.constant 0 : i32
      %dma_start3A_167 = tpu.memref_slice %arg8[%dma_start3A_165, %dma_start3A_166] : memref<79x128xi32, #tpu.memory_space<vmem>> -> memref<1x128xi32, #tpu.memory_space<vmem>>
      %dma_start3A_168 = tpu.memref_squeeze %dma_start3A_167 : memref<1x128xi32, #tpu.memory_space<vmem>> -> memref<128xi32, #tpu.memory_space<vmem>>
      %dma_start3A_169 = arith.constant 0 : i32
      %dma_start3A_170 = arith.constant 0 : i32
      %dma_start3A_171 = tpu.memref_slice %arg13[%dma_start3A_169, %dma_start3A_170] : memref<10240x128xf32, #tpu.memory_space<vmem_shared>> -> memref<10240x128xf32, #tpu.memory_space<vmem_shared>>
      tpu.enqueue_indirect_dma source(%arg10 : memref<128x128xf32, #tpu.memory_space<vmem>>) target(%dma_start3A_171 : memref<10240x128xf32, #tpu.memory_space<vmem_shared>>) offsets(%dma_start3A_168 : memref<128xi32, #tpu.memory_space<vmem>>) semaphore(%arg21 : memref<!tpu.dma_semaphore, #tpu.memory_space<semaphore_mem>>) {add = true}
      %dma_start3A_172 = arith.constant 78 : i32
      %dma_start3A_173 = arith.constant 0 : i32
      %dma_start3A_174 = tpu.memref_slice %arg8[%dma_start3A_172, %dma_start3A_173] : memref<79x128xi32, #tpu.memory_space<vmem>> -> memref<1x128xi32, #tpu.memory_space<vmem>>
      %dma_start3A_175 = tpu.memref_squeeze %dma_start3A_174 : memref<1x128xi32, #tpu.memory_space<vmem>> -> memref<128xi32, #tpu.memory_space<vmem>>
      %dma_start3A_176 = arith.constant 0 : i32
      %dma_start3A_177 = tpu.memref_slice %arg14[%dma_start3A_176] : memref<10240xf32, #tpu.memory_space<vmem_shared>> -> memref<10240xf32, #tpu.memory_space<vmem_shared>>
      tpu.enqueue_indirect_dma source(%arg12 : memref<128xf32, #tpu.memory_space<vmem>>) target(%dma_start3A_177 : memref<10240xf32, #tpu.memory_space<vmem_shared>>) offsets(%dma_start3A_175 : memref<128xi32, #tpu.memory_space<vmem>>) semaphore(%arg19 : memref<!tpu.dma_semaphore, #tpu.memory_space<semaphore_mem>>) {add = true}
      %dma_wait3A_178 = arith.constant 0 : i32
      %dma_wait3A_179 = arith.constant 0 : i32
      %dma_wait3A_180 = tpu.memref_slice %arg2[%dma_wait3A_178, %dma_wait3A_179] : memref<10000x128xf32, #tpu.memory_space<hbm>> -> memref<128x128xf32, #tpu.memory_space<hbm>>
      %dma_wait3A_181 = arith.constant 0 : i32
      %dma_wait3A_182 = arith.constant 0 : i32
      %dma_wait3A_183 = tpu.memref_slice %arg2[%dma_wait3A_181, %dma_wait3A_182] : memref<10000x128xf32, #tpu.memory_space<hbm>> -> memref<128x128xf32, #tpu.memory_space<hbm>>
      tpu.wait_dma2 semaphore(%arg21 : memref<!tpu.dma_semaphore, #tpu.memory_space<semaphore_mem>>) src(%dma_wait3A_183 : memref<128x128xf32, #tpu.memory_space<hbm>>) dst(%arg10 : memref<128x128xf32, #tpu.memory_space<vmem>>)
    } else {
    }
    %dma_wait3A_133 = arith.constant 0 : i32
    %dma_wait3A_134 = arith.constant 0 : i32
    %dma_wait3A_135 = tpu.memref_slice %arg2[%dma_wait3A_133, %dma_wait3A_134] : memref<10000x128xf32, #tpu.memory_space<hbm>> -> memref<128x128xf32, #tpu.memory_space<hbm>>
    %dma_wait3A_136 = arith.constant 0 : i32
    %dma_wait3A_137 = arith.constant 0 : i32
    %dma_wait3A_138 = tpu.memref_slice %arg2[%dma_wait3A_136, %dma_wait3A_137] : memref<10000x128xf32, #tpu.memory_space<hbm>> -> memref<128x128xf32, #tpu.memory_space<hbm>>
    tpu.wait_dma2 semaphore(%arg22 : memref<!tpu.dma_semaphore, #tpu.memory_space<semaphore_mem>>) src(%dma_wait3A_138 : memref<128x128xf32, #tpu.memory_space<hbm>>) dst(%arg11 : memref<128x128xf32, #tpu.memory_space<vmem>>)
    %while3A_139 = arith.constant 0 : i32
    %while3A_140 = arith.constant 0 : i32
    %while3A_141 = arith.subi %select_n3A, %while3A_140 : i32
    %while3A_142 = arith.addi %while3A_140, %while3A_141 : i32
    %while3A_143 = arith.constant 1 : i32
    %while3A_144 = arith.divsi %while3A_141, %while3A_143 : i32
    %while3A_145 = arith.muli %while3A_144, %while3A_143 : i32
    %while3A_146 = arith.addi %while3A_140, %while3A_145 : i32
    %while3A_147 = arith.constant 1 : i32
    scf.for %while3A_159 = %while3A_140 to %while3A_146 step %while3A_147  : i32 {
      %dma_wait3A_160 = arith.constant 0 : i32
      %dma_wait3A_161 = tpu.memref_slice %arg5[%dma_wait3A_160] : memref<10240xf32, #tpu.memory_space<hbm>> -> memref<128xf32, #tpu.memory_space<hbm>>
      %dma_wait3A_162 = arith.constant 0 : i32
      %dma_wait3A_163 = tpu.memref_slice %arg5[%dma_wait3A_162] : memref<10240xf32, #tpu.memory_space<hbm>> -> memref<128xf32, #tpu.memory_space<hbm>>
      tpu.wait_dma2 semaphore(%arg19 : memref<!tpu.dma_semaphore, #tpu.memory_space<semaphore_mem>>) src(%dma_wait3A_163 : memref<128xf32, #tpu.memory_space<hbm>>) dst(%arg12 : memref<128xf32, #tpu.memory_space<vmem>>)
    }
    %while3A_148 = arith.constant 1 : i32
    scf.for %while3A_159 = %while3A_146 to %while3A_142 step %while3A_148  : i32 {
      %dma_wait3A_160 = arith.constant 0 : i32
      %dma_wait3A_161 = tpu.memref_slice %arg5[%dma_wait3A_160] : memref<10240xf32, #tpu.memory_space<hbm>> -> memref<128xf32, #tpu.memory_space<hbm>>
      %dma_wait3A_162 = arith.constant 0 : i32
      %dma_wait3A_163 = tpu.memref_slice %arg5[%dma_wait3A_162] : memref<10240xf32, #tpu.memory_space<hbm>> -> memref<128xf32, #tpu.memory_space<hbm>>
      tpu.wait_dma2 semaphore(%arg19 : memref<!tpu.dma_semaphore, #tpu.memory_space<semaphore_mem>>) src(%dma_wait3A_163 : memref<128xf32, #tpu.memory_space<hbm>>) dst(%arg12 : memref<128xf32, #tpu.memory_space<vmem>>)
    }
    %barrier3A_149 = arith.constant 0 : index
    tpu.barrier barrier_id(%barrier3A_149)
    %mul3A_150 = arith.constant 640 : i32
    %mul3A_151 = arith.muli %arg1, %mul3A_150 : i32
    %mul3A_152 = arith.constant 640 : i32
    %mul3A_153 = arith.muli %arg1, %mul3A_152 : i32
    "tpu.region"() ({
      %run_scoped3A = tpu.sem_alloc : memref<!tpu.dma_semaphore, #tpu.memory_space<semaphore_mem>>
      %dma_start3A_159 = arith.constant 0 : i32
      %dma_start3A_160 = tpu.memref_slice %arg6[%arg0, %mul3A_153, %dma_start3A_159] : memref<2x10240x128xf32, #tpu.memory_space<hbm>> -> memref<1x640x128xf32, #tpu.memory_space<hbm>>
      %dma_start3A_161 = tpu.memref_squeeze %dma_start3A_160 : memref<1x640x128xf32, #tpu.memory_space<hbm>> -> memref<640x128xf32, #tpu.memory_space<hbm>>
      %dma_start3A_162 = arith.constant 0 : i32
      %dma_start3A_163 = tpu.memref_slice %arg13[%mul3A_151, %dma_start3A_162] : memref<10240x128xf32, #tpu.memory_space<vmem_shared>> -> memref<640x128xf32, #tpu.memory_space<vmem_shared>>
      tpu.enqueue_dma source(%dma_start3A_163 : memref<640x128xf32, #tpu.memory_space<vmem_shared>>) target(%dma_start3A_161 : memref<640x128xf32, #tpu.memory_space<hbm>>) target_semaphore(%run_scoped3A : memref<!tpu.dma_semaphore, #tpu.memory_space<semaphore_mem>>)
      %dma_wait3A_164 = arith.constant 0 : i32
      %dma_wait3A_165 = tpu.memref_slice %arg6[%arg0, %mul3A_153, %dma_wait3A_164] : memref<2x10240x128xf32, #tpu.memory_space<hbm>> -> memref<1x640x128xf32, #tpu.memory_space<hbm>>
      %dma_wait3A_166 = tpu.memref_squeeze %dma_wait3A_165 : memref<1x640x128xf32, #tpu.memory_space<hbm>> -> memref<640x128xf32, #tpu.memory_space<hbm>>
      %dma_wait3A_167 = arith.constant 0 : i32
      %dma_wait3A_168 = tpu.memref_slice %arg13[%mul3A_151, %dma_wait3A_167] : memref<10240x128xf32, #tpu.memory_space<vmem_shared>> -> memref<640x128xf32, #tpu.memory_space<vmem_shared>>
      tpu.wait_dma2 semaphore(%run_scoped3A : memref<!tpu.dma_semaphore, #tpu.memory_space<semaphore_mem>>) src(%dma_wait3A_168 : memref<640x128xf32, #tpu.memory_space<vmem_shared>>) dst(%dma_wait3A_166 : memref<640x128xf32, #tpu.memory_space<hbm>>)
      tpu.yield
    }) : () -> ()
    %eq3A_154 = arith.constant 0 : i32
    %eq3A_155 = arith.cmpi eq, %arg1, %eq3A_154 : i32
    %convert_element_type3A_156 = arith.extui %eq3A_155 : i1 to i32
    %cond3A_157 = arith.constant 0 : i32
    %cond3A_158 = arith.cmpi ne, %convert_element_type3A_156, %cond3A_157 : i32
    scf.if %cond3A_158 {
      "tpu.region"() ({
        %run_scoped3A = tpu.sem_alloc : memref<!tpu.dma_semaphore, #tpu.memory_space<semaphore_mem>>
        %dma_start3A_159 = arith.constant 0 : i32
        %dma_start3A_160 = tpu.memref_slice %arg7[%arg0, %dma_start3A_159] : memref<2x10240xf32, #tpu.memory_space<hbm>> -> memref<1x10240xf32, #tpu.memory_space<hbm>>
        %dma_start3A_161 = tpu.memref_squeeze %dma_start3A_160 : memref<1x10240xf32, #tpu.memory_space<hbm>> -> memref<10240xf32, #tpu.memory_space<hbm>>
        tpu.enqueue_dma source(%arg14 : memref<10240xf32, #tpu.memory_space<vmem_shared>>) target(%dma_start3A_161 : memref<10240xf32, #tpu.memory_space<hbm>>) target_semaphore(%run_scoped3A : memref<!tpu.dma_semaphore, #tpu.memory_space<semaphore_mem>>)
        %dma_wait3A_162 = arith.constant 0 : i32
        %dma_wait3A_163 = tpu.memref_slice %arg7[%arg0, %dma_wait3A_162] : memref<2x10240xf32, #tpu.memory_space<hbm>> -> memref<1x10240xf32, #tpu.memory_space<hbm>>
        %dma_wait3A_164 = tpu.memref_squeeze %dma_wait3A_163 : memref<1x10240xf32, #tpu.memory_space<hbm>> -> memref<10240xf32, #tpu.memory_space<hbm>>
        tpu.wait_dma2 semaphore(%run_scoped3A : memref<!tpu.dma_semaphore, #tpu.memory_space<semaphore_mem>>) src(%arg14 : memref<10240xf32, #tpu.memory_space<vmem_shared>>) dst(%dma_wait3A_164 : memref<10240xf32, #tpu.memory_space<hbm>>)
        tpu.yield
      }) : () -> ()
    } else {
    }
    return
  }
}

module attributes {stable_mosaic.version = 14 : i64} {
  func.func @body(%arg0: i32, %arg1: memref<2x2000x128xf32, #tpu.memory_space<vmem>>, %arg2: memref<2000x128xf32, #tpu.memory_space<vmem>>, %arg3: memref<2000x128xf32, #tpu.memory_space<vmem>>, %arg4: memref<256x128xf32, #tpu.memory_space<vmem>>, %arg5: memref<1x128xf32, #tpu.memory_space<vmem>>, %arg6: memref<2000x128xf32, #tpu.memory_space<vmem>>) attributes {dimension_semantics = [#tpu.dimension_semantics<arbitrary>], iteration_bounds = array<i64: 5>, scalar_prefetch = 0 : i64, scratch_operands = 0 : i64, tpu.core_type = #tpu.core_type<tc>, window_params = [{transform_indices = @transform_0, window_bounds = array<i64: 2, 2000, 128>}, {transform_indices = @transform_1, window_bounds = array<i64: 2000, 128>}, {transform_indices = @transform_2, window_bounds = array<i64: 2000, 128>}, {pipeline_mode = #tpu.pipeline_mode<synchronous>, transform_indices = @transform_3, window_bounds = array<i64: 256, 128>}, {pipeline_mode = #tpu.pipeline_mode<synchronous>, transform_indices = @transform_4, window_bounds = array<i64: 1, 128>}, {transform_indices = @transform_5, window_bounds = array<i64: 2000, 128>}]} {
    %get3A = arith.constant 0 : index
    %get3A_0 = arith.constant 0 : index
    %get3A_1 = arith.constant 0 : index
    %get3A_2 = vector.load %arg1[%get3A, %get3A_0, %get3A_1] : memref<2x2000x128xf32, #tpu.memory_space<vmem>>, vector<1x2000x128xf32>
    %get3A_3 = vector.shape_cast %get3A_2 : vector<1x2000x128xf32> to vector<2000x128xf32>
    %get3A_4 = arith.constant 1 : index
    %get3A_5 = arith.constant 0 : index
    %get3A_6 = arith.constant 0 : index
    %get3A_7 = vector.load %arg1[%get3A_4, %get3A_5, %get3A_6] : memref<2x2000x128xf32, #tpu.memory_space<vmem>>, vector<1x2000x128xf32>
    %get3A_8 = vector.shape_cast %get3A_7 : vector<1x2000x128xf32> to vector<2000x128xf32>
    %add3A = arith.addf %get3A_3, %get3A_8 : vector<2000x128xf32>
    %get3A_9 = arith.constant 0 : index
    %get3A_10 = arith.constant 0 : index
    %get3A_11 = vector.load %arg2[%get3A_9, %get3A_10] : memref<2000x128xf32, #tpu.memory_space<vmem>>, vector<2000x128xf32>
    %div3A = arith.divf %add3A, %get3A_11 : vector<2000x128xf32>
    %get3A_12 = arith.constant 0 : index
    %get3A_13 = arith.constant 0 : index
    %get3A_14 = vector.load %arg3[%get3A_12, %get3A_13] : memref<2000x128xf32, #tpu.memory_space<vmem>>, vector<2000x128xf32>
    %concatenate3A = tpu.concatenate %div3A, %get3A_14 in 1 : vector<2000x128xf32>, vector<2000x128xf32> -> vector<2000x256xf32>
    %get3A_15 = arith.constant 0 : index
    %get3A_16 = arith.constant 0 : index
    %get3A_17 = vector.load %arg4[%get3A_15, %get3A_16] : memref<256x128xf32, #tpu.memory_space<vmem>>, vector<256x128xf32>
    %dot_general3A = arith.constant dense<0.000000e+00> : vector<2000x128xf32>
    %dot_general3A_18 = tpu.matmul %concatenate3A, %get3A_17, %dot_general3A {dimension_numbers = #tpu.dot_dimension_numbers<[1], [0], [0], [1], [0, 0, 1, 1], [], []>, transpose_lhs_hint = false} : vector<2000x256xf32>, vector<256x128xf32>, vector<2000x128xf32> -> vector<2000x128xf32>
    %get3A_19 = arith.constant 0 : index
    %get3A_20 = arith.constant 0 : index
    %get3A_21 = vector.load %arg5[%get3A_19, %get3A_20] : memref<1x128xf32, #tpu.memory_space<vmem>>, vector<1x128xf32>
    %add3A_22 = vector.broadcast %get3A_21 : vector<1x128xf32> to vector<2000x128xf32>
    %add3A_23 = arith.addf %dot_general3A_18, %add3A_22 : vector<2000x128xf32>
    %logistic3A = arith.negf %add3A_23 : vector<2000x128xf32>
    %logistic3A_24 = math.exp %logistic3A : vector<2000x128xf32>
    %logistic3A_25 = arith.constant 1.000000e+00 : f32
    %logistic3A_26 = vector.broadcast %logistic3A_25 : f32 to vector<2000x128xf32>
    %logistic3A_27 = arith.addf %logistic3A_26, %logistic3A_24 : vector<2000x128xf32>
    %logistic3A_28 = arith.divf %logistic3A_26, %logistic3A_27 : vector<2000x128xf32>
    %mul3A = arith.mulf %add3A_23, %logistic3A_28 : vector<2000x128xf32>
    %swap3A = arith.constant 0 : index
    %swap3A_29 = arith.constant 0 : index
    %swap3A_30 = vector.load %arg6[%swap3A, %swap3A_29] : memref<2000x128xf32, #tpu.memory_space<vmem>>, vector<2000x128xf32>
    tpu.vector_store %arg6[%swap3A, %swap3A_29], %mul3A {strides = array<i32>} : memref<2000x128xf32, #tpu.memory_space<vmem>>, vector<2000x128xf32>,
    return
  }
  func.func @transform_0(%arg0: i32) -> (i32, i32, i32) {
    %c0_i32 = arith.constant 0 : i32
    %c0_i32_0 = arith.constant 0 : i32
    %c0_i32_1 = arith.constant 0 : i32
    return %c0_i32, %arg0, %c0_i32_0 : i32, i32, i32
  }
  func.func @transform_1(%arg0: i32) -> (i32, i32) {
    %c0_i32 = arith.constant 0 : i32
    %c0_i32_0 = arith.constant 0 : i32
    return %arg0, %c0_i32 : i32, i32
  }
  func.func @transform_2(%arg0: i32) -> (i32, i32) {
    %c0_i32 = arith.constant 0 : i32
    %c0_i32_0 = arith.constant 0 : i32
    return %arg0, %c0_i32 : i32, i32
  }
  func.func @transform_3(%arg0: i32) -> (i32, i32) {
    %c0_i32 = arith.constant 0 : i32
    %c0_i32_0 = arith.constant 0 : i32
    %c0_i32_1 = arith.constant 0 : i32
    return %c0_i32, %c0_i32_0 : i32, i32
  }
  func.func @transform_4(%arg0: i32) -> (i32, i32) {
    %c0_i32 = arith.constant 0 : i32
    %c0_i32_0 = arith.constant 0 : i32
    %c0_i32_1 = arith.constant 0 : i32
    return %c0_i32, %c0_i32_0 : i32, i32
  }
  func.func @transform_5(%arg0: i32) -> (i32, i32) {
    %c0_i32 = arith.constant 0 : i32
    %c0_i32_0 = arith.constant 0 : i32
    return %arg0, %c0_i32 : i32, i32
  }
}

</mosaic_0001>

<sc_bundles>
// kernel: kernel.4.cloned.1.call-start
scs
__scs_entry_jumppad:
0x0: {  	(pc) =	sbr.rel $0x88, $3  }
0x1: {  	(tag) =	ssettag $0x0;
	lr =	simm.s32 $0x1  }
0x2: {  	[smem:$0x3F9D] =	sst lr;
	_ =	strace $0xD0000000  }
0x3: {  	_ = 	snop  }
0x4: {  	_ = 	snop  }
0x5: {  	_ = 	snop  }
0x6: {  	_ = 	snop  }
0x7: {  	_ = 	snop  }
__scs_overlays_trampoline_lowered:
0x8: {  	[smem:$0x3FAC] =	sst s0  }
0x9: {  	[smem:$0x3FAD] =	sst s1  }
0xa: {  	[smem:$0x3FAE] =	sst s2  }
0xb: {  	[smem:$0x3FAF] =	sst s3  }
0xc: {  	[smem:$0x3FB0] =	sst s4  }
0xd: {  	[smem:$0x3FB1] =	sst s5  }
0xe: {  	[smem:$0x3FB2] =	sst s6  }
0xf: {  	[smem:$0x3FB3] =	sst s7  }
0x10: {  	[smem:$0x3FB4] =	sst s8  }
0x11: {  	[smem:$0x3FB5] =	sst s9;
	s0 =	simm.s32 @!p0 $0x0  }
0x12: {  	s1 =	sld [smem:$0x3F9B];
	s0 =	simm.s32 @p0 $0x1  }
0x13: {  	[smem:$0x3FB6] =	sst s0;
	s0 =	simm.s32 @!p1 $0x0  }
0x14: {  	s2 =	sld [smem:$0x3F9A];
	s0 =	simm.s32 @p1 $0x1  }
0x15: {  	[smem:$0x3FB7] =	sst s0;
	s0 =	simm.s32 @!p2 $0x0  }
0x16: {  	s3 =	sld [smem:$0x3FDB];
	s0 =	simm.s32 @p2 $0x1  }
0x17: {  	s4 =	simm.s32 $0x1BF5;
	[smem:$0x3FB9] =	sst s0  }
0x18: {  	s0 =	sld [smem:$0x3F9C];
	_ =	swait.ge [sflag:s4], $0x0  }
0x19: {  	s7 =	sld [smem:$0x3F9D]  }
0x1a: {  	s8 =	sadd.s32 $0xFFFFE003, lr  }
0x1b: {  	s9 =	sadd.s32 $0xFFFFFEF7, lr;
	s5 =	simm.s32 $0xFFFFFFFF;
	p2 =	slt.u32 s8, $0xFFFFF086  }
0x1c: {  	p1 =	slt.u32 s9, $0xF7A;
	s5 =	simm.s32 @!p2 $0x0  }
0x1d: {  	s5 =	simm.s32 @p1 $0x1;
	p0 =	seq.s32 s7, s2  }
0x1e: {  	s7 =	smul.u32 @!p0 $0xF7A, s2;
	p2 =	seq.s32 @!p0 s5, $0x0  }
0x1f: {  	s9 =	smul.u32 $0xF7A, s1;
	s8 =	simm.s32 @!p0 $0x1BF5;
	p2 =	por !p2, p0  }
0x20: {  	[sflag:s8] =	ssyncset.s32 @!p0 $0xFFFFF086;
	s6 =	sadd.s32 @!p0 s3, s7;
	s7 =	simm.s32 @!p0 $0x108  }
0x21: {  	s3 =	sadd.s32 s3, s9;
	s6 =	sadd.s32 @!p0 $0x88, s6;
	s7 =	simm.s32 @p2 $0x1082  }
0x22: {  	[simem:s7], [sflag:s8] =	dma.local @!p0 [hbm:s6], $0xF7A  }
0x23: {  	s9 =	sor.u32 $0xD0000000, s2;
	s6 =	simm.s32 $0x108;
	_ =	swait.ge @!p0 [sflag:s8], $0x0  }
0x24: {  	s3 =	sadd.s32 $0x88, s3;
	s6 =	simm.s32 @!p1 $0x1082;
	[sflag:s4] =	ssyncset.s32 $0xFFFFF086  }
0x25: {  	[simem:s6], [sflag:s4] =	dma.local [hbm:s3], $0xF7A  }
0x26: {  	[smem:$0x3F9D] =	sst s1;
	(tag) =	ssettag s2;
	_ =	strace s9  }
0x27: {  	s1 =	sld [smem:$0x3FAD]  }
0x28: {  	s2 =	sld [smem:$0x3FAE]  }
0x29: {  	s4 =	sld [smem:$0x3FB0]  }
0x2a: {  	p0 =	seq.s32 s5, $0x0;
	s5 =	sld [smem:$0x3FB1]  }
0x2b: {  	s6 =	sld [smem:$0x3FB2]  }
0x2c: {  	s7 =	sld [smem:$0x3FB3]  }
0x2d: {  	s3 =	simm.s32 $0x108;
	s8 =	sld [smem:$0x3FB4]  }
0x2e: {  	s3 =	simm.s32 @!p0 $0x1082;
	s9 =	sld [smem:$0x3FB5]  }
0x2f: {  	lr =	sadd.s32 s0, s3;
	s0 =	sld [smem:$0x3FAC]  }
0x30: {  	s3 =	sld [smem:$0x3FAF]  }
0x31: {  	[smem:$0x3FB8] =	sst s10  }
0x32: {  	s10 =	sld [smem:$0x3FB6];
	_ =	sdelay $0x3  }
0x33: {  	p0 =	seq.s32 s10, $0x1;
	s10 =	sld [smem:$0x3FB8];
	_ =	sdelay $0x3  }
0x34: {  	[smem:$0x3FB8] =	sst s10  }
0x35: {  	s10 =	sld [smem:$0x3FB7];
	_ =	sdelay $0x3  }
0x36: {  	p1 =	seq.s32 s10, $0x1;
	s10 =	sld [smem:$0x3FB8];
	_ =	sdelay $0x3  }
0x37: {  	[smem:$0x3FB8] =	sst s10  }
0x38: {  	s10 =	sld [smem:$0x3FB9]  }
0x39: {  	_ = 	snop;
	(pc) =	sbr.ind lr, $3  }
0x3a: {  	_ = 	snop  }
0x3b: {  	_ = 	snop  }
0x3c: {  	p2 =	seq.s32 s10, $0x1;
	s10 =	sld [smem:$0x3FB8]  }
0x3d: {  	_ =	shalt  }
0x3e: {  	_ =	shalt  }
0x3f: {  	_ =	shalt  }
0x40: {  	_ =	shalt  }
0x41: {  	_ =	shalt  }
0x42: {  	_ =	shalt  }
0x43: {  	_ =	shalt  }
0x44: {  	_ =	shalt  }
0x45: {  	_ =	shalt  }
0x46: {  	_ =	shalt  }
0x47: {  	_ =	shalt  }
0x48: {  	_ =	shalt  }
0x49: {  	_ =	shalt  }
0x4a: {  	_ =	shalt  }
0x4b: {  	_ =	shalt  }
0x4c: {  	_ =	shalt  }
0x4d: {  	_ =	shalt  }
0x4e: {  	_ =	shalt  }
0x4f: {  	_ =	shalt  }
0x50: {  	_ =	shalt  }
0x51: {  	_ =	shalt  }
0x52: {  	_ =	shalt  }
0x53: {  	_ =	shalt  }
0x54: {  	_ =	shalt  }
0x55: {  	_ =	shalt  }
0x56: {  	_ =	shalt  }
0x57: {  	_ =	shalt  }
0x58: {  	_ =	shalt  }
0x59: {  	_ =	shalt  }
0x5a: {  	_ =	shalt  }
0x5b: {  	_ =	shalt  }
0x5c: {  	_ =	shalt  }
0x5d: {  	_ =	shalt  }
0x5e: {  	_ =	shalt  }
0x5f: {  	_ =	shalt  }
0x60: {  	_ =	shalt  }
0x61: {  	_ =	shalt  }
0x62: {  	_ =	shalt  }
0x63: {  	_ =	shalt  }
0x64: {  	_ =	shalt  }
0x65: {  	_ =	shalt  }
0x66: {  	_ =	shalt  }
0x67: {  	_ =	shalt  }
0x68: {  	_ =	shalt  }
0x69: {  	_ =	shalt  }
0x6a: {  	_ =	shalt  }
0x6b: {  	_ =	shalt  }
0x6c: {  	_ =	shalt  }
0x6d: {  	_ =	shalt  }
0x6e: {  	_ =	shalt  }
0x6f: {  	_ =	shalt  }
0x70: {  	_ =	shalt  }
0x71: {  	_ =	shalt  }
0x72: {  	_ =	shalt  }
0x73: {  	_ =	shalt  }
0x74: {  	_ =	shalt  }
0x75: {  	_ =	shalt  }
0x76: {  	_ =	shalt  }
0x77: {  	_ =	shalt  }
0x78: {  	_ =	shalt  }
0x79: {  	_ =	shalt  }
0x7a: {  	_ =	shalt  }
0x7b: {  	_ =	shalt  }
0x7c: {  	_ =	shalt  }
0x7d: {  	_ =	shalt  }
0x7e: {  	_ =	shalt  }
0x7f: {  	_ =	shalt  }
0x80: {  	_ =	shalt  }
0x81: {  	_ =	shalt  }
0x82: {  	_ =	shalt  }
0x83: {  	_ =	shalt  }
0x84: {  	_ =	shalt  }
0x85: {  	_ =	shalt  }
0x86: {  	_ =	shalt  }
0x87: {  	_ =	shalt  }
.Lfunc_end0:
.L_simem_size_0:
called_computation_lowered:
.L_overlay_start_0:
0x88: {  	s2 =	sld [smem:$0x3FD9]  }
0x89: {  	s3 =	sld [smem:$0x3FFE];
	_ =	sdelay $0x1  }
0x8a: {  	s1 =	srdreg.scid  }
0x8b: {  	s0 =	sand.u32 $0x1, s1  }
0x8c: {  	s17 =	sshll.u32 s0, $0xA;
	s2 =	sadd.s32 s3, s2  }
0x8d: {  	s2 =	sadd.s32 s2, s17  }
0x8e: {  	[smem:$0x3FC4] =	sst s2  }
0x8f: {  	_ = 	snop  }
0x90: {  	s2 =	sld [smem:$0x3FC9]  }
0x91: {  	s18 =	sld [smem:$0x3FC8]  }
0x92: {  	s4 =	sld [smem:$0x3FD0];
	(tm) =	ssettm $0x1  }
0x93: {  	s5 =	sld [smem:$0x3FFB];
	_ =	sdelay $0x3  }
0x94: {  	_ =	strace s5  }
0x95: {  	s5 =	sld [smem:$0x3FFC];
	_ =	sdelay $0x3  }
0x96: {  	_ =	strace s5  }
0x97: {  	s5 =	sld [smem:$0x3FFD];
	_ =	sdelay $0x3  }
0x98: {  	_ =	strace s5  }
0x99: {  	_ =	strace $0x8FFFFFFF  }
0x9a: {  	s19 =	sld [smem:$0x3FDB];
	_ =	sdelay $0x1  }
0x9b: {  	s6 =	simm.s32 $_scs_section_size  }
0x9c: {  	s7 =	simm.s32 $_size__tile_overlayer_lowered;
	s8 =	simm.s32 $_tile_overlayer_lowered  }
0x9d: {  	s22 =	simm.s32 $0x1BFF;
	s21 =	sshll.u32 s8, $0x1;
	s5 =	sadd.s32 s6, s19  }
0x9e: {  	s9 =	simm.s32 $0x0;
	s20 =	sshll.u32 s7, $0x1;
	s7 =	sadd.s32 s21, s5  }
0x9f: {  	[timem:s9], [sflag:s22] =	dma.local [hbm:s7], s20  }
0xa0: {  	_ =	swait.ge [sflag:s22], s20  }
0xa1: {  	s6 =	ssub.s32 $0x0, s20;
	[sflag:s22] =	ssyncset.done $0x0  }
0xa2: {  	[sflag:s22] =	ssyncadd.s32 s6;
	_ =	sdelay $0x1  }
0xa3: {  	s23 =	simm.s32 $0x1B8B  }
0xa4: {  	_ =	swait.ge [sflag:s23], $0x1  }
0xa5: {  	[sflag:s23] =	ssyncset.done $0x0  }
0xa6: {  	s25 =	simm.s32 $0x1B8E;
	s24 =	sld [smem:$0x3FFE];
	[sflag:s23] =	ssyncadd.s32 $0xFFFFFFFF  }
0xa7: {  	s26 =	simm.s32 $execute0_lowered;
	[smem:$0x3FD2] =	sst s25  }
0xa8: {  	s7 =	sshll.u32 s26, $0x1;
	_ =	strace $0x80000046;
	[dreg:$0x1] =	wrdreg $0xFFFFFFFF  }
0xa9: {  	s28 =	simm.s32 $_size_execute0_lowered;
	s5 =	sadd.s32 s5, s7;
	[dreg:$0x0] =	wrdreg $0x0  }
0xaa: {  	s7 =	sshll.u32 s28, $0x1;
	[dreg:$0x2] =	wrdreg s5  }
0xab: {  	[dreg:$0x3] =	wrdreg s7  }
0xac: {  	[dreg:$0x4] =	wrdreg $0xC0  }
0xad: {  	_ =	task [dreg:s9], $0x5FFFF  }
0xae: {  	[dreg:$0x1] =	wrdreg $0xFFFFFFFF  }
0xaf: {  	[dreg:$0x0] =	wrdreg $0x60  }
0xb0: {  	[dreg:$0x2] =	wrdreg s2  }
0xb1: {  	[dreg:$0x3] =	wrdreg s18  }
0xb2: {  	[dreg:$0x4] =	wrdreg s4  }
0xb3: {  	[dreg:$0x5] =	wrdreg s24  }
0xb4: {  	[dreg:$0x6] =	wrdreg $0xA9800  }
0xb5: {  	[dreg:$0x7] =	wrdreg $0x1E9800  }
0xb6: {  	[dreg:$0x8] =	wrdreg $0x9  }
0xb7: {  	_ =	task.clear_ibuf [dreg:s9], $0x9FFFF;
	_ =	strace $0x90000046  }
0xb8: {  	s29 =	simm.s32 $0x9;
	_ =	strace $0x80000048  }
0xb9: {  	_ =	swait.ge [sflag:s29], $0x1  }
0xba: {  	[sflag:s29] =	ssyncadd.s32 $0xFFFFFFFF  }
0xbb: {  	_ =	strace $0x90000048  }
0xbc: {  	_ =	sfence  }
0xbd: {  	s30 =	sld [smem:$0x0];
	_ =	sdelay $0x2  }
0xbe: {  	s31 =	sshll.u32 s1, $0xD;
	s1 =	sshrl.u32 s1, $0x2  }
0xbf: {  	s3 =	sand.u32 $0x4000, s31;
	s1 =	sadd.s32 s1, s30  }
0xc0: {  	s0 =	sor.u32 s3, s0;
	s1 =	sshll.u32 s1, $0x11  }
0xc1: {  	s0 =	sor.u32 s1, s0  }
0xc2: {  	s0 =	sadd.s32 $0x8F2B, s0  }
0xc3: {  	[sflag:s0] =	ssyncadd.remote.s32 $0x1  }
0xc4: {  	_ =	sfence.sel $0xFFFF  }
0xc5: {  	[dreg:$0x0] =	wrdreg $0xFFFFFFFF;
	(pc) =	sbr.abs _section_cstart, $3  }
0xc6: {  	[dreg:$0x1] =	wrdreg $0xFFFFFFFF  }
0xc7: {  	_ =	task.clear_ibuf [dreg:s9], $0x2FFFF;
	_ =	strace $0x9FFFFFFF  }
0xc8: {  	(tm) =	ssettm $0x7FFFFFFF  }
0xc9: {  	_ =	shalt  }
tec
execute0_lowered:
.L_overlay_start_1:
0x0: {  	(tag) =	ssettag $0x1  }
0x1: {  	s0 =	rddreg [dreg:$0x0]  }
0x2: {  	s1 =	rddreg [dreg:$0x1]  }
0x3: {  	s3 =	rddreg [dreg:$0x3]  }
0x4: {  	s2 =	rddreg [dreg:$0x4];
	s5 =	srdreg.scid  }
0x5: {  	s4 =	rddreg [dreg:$0x5];
	s14 =	stileid.u32  }
0x6: {  	s6 =	simm.s32 $0x0;
	s28 =	simm.s32 $0x3;
	s29 =	simm.s32 $0xA900  }
0x7: {  	s30 =	simm.s32 $0x2;
	s31 =	simm.s32 $0x6900;
	s5 =	sand.u32 $0x1, s5  }
0x8: {  	s8 =	smul.u32 $0x14000, s14;
	[smem:$0x7FF] =	sst s6;
	s9 =	sadd.s32 $0x1200, s3  }
0x9: {  	s18 =	smul.u32 $0x50000, s14;
	s22 =	sshll.u32 s14, $0x8;
	s25 =	sshll.u32 s14, $0x5  }
0xa: {  	s7 =	smul.u32 $0x140000, s5;
	_ =	strace $0x80000047;
	[dreg:$0x7] =	wrdreg s9  }
0xb: {  	s16 =	sshll.u32 s5, $0x4;
	s17 =	ssub.s32 $0x2, s5;
	s21 =	sshll.u32 s5, $0xC  }
0xc: {  	s5 =	sshll.u32 s5, $0x9;
	s10 =	sshrl.u32 s17, $0x1;
	s11 =	sor.u32 s14, s16  }
0xd: {  	s13 =	sshrl.u32 s18, $0x2;
	s7 =	sadd.s32 s8, s7;
	s10 =	ssub.s32 s17, s10  }
0xe: {  	p0 =	slt.u32 s11, $0x4;
	s8 =	simm.s32 $0x4F;
	s12 =	sshll.u32 s11, $0x5  }
0xf: {  	s19 =	sadd.s32 s13, s2;
	p1 =	sgt.u32 s11, $0x3;
	s11 =	simm.s32 $0x5  }
0x10: {  	s7 =	sshrl.u32 s7, $0x3;
	s8 =	simm.s32 @!p0 $0x4E;
	s9 =	sadd.s32 s1, s12  }
0x11: {  	[dreg:$0x8] =	wrdreg s19;
	s10 =	smax.u32 s10, $0x1;
	p0 =	sne.s32 s14, $0x0  }
0x12: {  	s12 =	simm.s32 $0x0;
	s20 =	sadd.s32 $0x400, s9;
	[dreg:$0xc] =	wrdreg s10  }
0x13: {  	s7 =	sadd.s32 s7, s3;
	s23 =	sadd.s32 $0x800, s9;
	[dreg:$0x9] =	wrdreg s20  }
0x14: {  	s3 =	sadd.s32 s16, s3;
	s24 =	sadd.s32 $0xC00, s9;
	[dreg:$0xd] =	wrdreg s23  }
0x15: {  	s26 =	sadd.s32 $0x13800, s9;
	s7 =	sadd.s32 $0x2200, s7;
	[dreg:$0xe] =	wrdreg s24  }
0x16: {  	s3 =	sadd.s32 $0x1800, s3;
	[dreg:$0xf] =	wrdreg s26;
	s20 =	simm.s32 $0x9  }
0x17: {  	s23 =	simm.s32 $0x1;
	s24 =	simm.s32 $0x80;
	[dreg:$0xa] =	wrdreg s7  }
0x18: {  	s26 =	simm.s32 $0x2880;
	[dreg:$0xb] =	wrdreg s3;
	s3 =	sor.u32 s22, s21  }
0x19: {  	s21 =	simm.s32 $0x6;
	s22 =	simm.s32 $0x2800;
	s3 =	sshrl.u32 s3, $0x3  }
0x1a: {  	s3 =	sadd.s32 s3, s1;
	s1 =	sadd.s32 s5, s1;
	s5 =	simm.s32 $0x8  }
0x1b: {  	s18 =	sadd.s32 $0x10, s3;
	s1 =	sadd.s32 s25, s1;
	s25 =	simm.s32 $0x2900  }
0x1c: {  	v0 =	vimm.f32 $1.000000000e+00;
	s3 =	simm.s32 $0x4;
	s19 =	sadd.s32 $0x1000, s1;
	s1 =	simm.s32 $0x7  }
.LBB2_1:
0x1d: {  	p2 =	sne.s32 s8, $0x1  }
.Ltmp0:
0x1e: {  	_ = 	snop;
	(pc) =	sbr.rel @!p2 .LBB2_3-.Ltmp0, $3  }
0x1f: {  	_ =	sdelay $0x1  }
0x20: {  	[tilespmem:s6], [sflag:$0x6] =	stream.linear.gather [hbm4b:s18+s6], $0x80, $0x38;
	[tilespmem:$0x1EC00] =	vst v63  }
0x21: {  	s13 =	sadd.s32 $0xFFFFFFFF, s8;
	s14 =	smov.u32 s18;
	s15 =	simm.s32 $0x0  }
.LBB2_2:
0x22: {  	p3 =	sne.s32 s13, $0x1  }
.Ltmp1:
0x23: {  	_ = 	snop;
	(pc) =	sbr.rel @p3 .LBB2_2-.Ltmp1, $4  }
0x24: {  	_ = 	snop  }
0x25: {  	s14 =	sadd.s32 $0x400, s14;
	s15 =	sadd.s32 $0x80, s15  }
0x26: {  	s13 =	sadd.s32 $0xFFFFFFFF, s13  }
0x27: {  	[tilespmem:s15], [sflag:$0x6] =	stream.linear.gather [hbm4b:s14+s6], $0x80, $0x38;
	[tilespmem:$0x1EC00] =	vst v63  }
.LBB2_3:
0x28: {  	s7 =	stileid.u32  }
0x29: {  	s16 =	rddreg [dreg:$0x8];
	s13 =	sshll.u32 s7, $0x6  }
0x2a: {  	s17 =	rddreg [dreg:$0x2];
	s15 =	sshrl.u32 s16, $0x3;
	s13 =	sor.u32 $0x1C09, s13  }
0x2b: {  	[spmem:s15], [sflag:s13] =	dma.local [hbm:s17], $0x2800  }
0x2c: {  	_ =	swait.ge [sflag:s20], $0x2800  }
0x2d: {  	s14 =	sshrl.u32 @!p0 s4, $0x3;
	[sflag:s20] =	ssyncset.done $0x0  }
0x2e: {  	s16 =	simm.s32 @!p0 $0x9;
	s7 =	rddreg [dreg:$0x7];
	[sflag:s20] =	ssyncadd.s32 $0xFFFFD800  }
0x2f: {  	[spmem:s14], [sflag:s13] =	dma.local @!p0 [hbm:s7], $0x500  }
0x30: {  	_ =	swait.ge @!p0 [sflag:s16], $0x500  }
0x31: {  	[sflag:s16] =	ssyncset.done @!p0 $0x0  }
0x32: {  	[sflag:s16] =	ssyncadd.s32 @!p0 $0xFFFFFB00  }
0x33: {  	[tilespmem:$0xA900] =	vst v0  }
0x34: {  	[tilespmem:$0xA910] =	vst v0  }
0x35: {  	[tilespmem:$0xA920] =	vst v0  }
0x36: {  	[tilespmem:$0xA930] =	vst v0  }
0x37: {  	[tilespmem:$0xA940] =	vst v0  }
.Ltmp2:
0x38: {  	[tilespmem:$0xA950] =	vst v0;
	(pc) =	sbr.rel @!p2 .LBB2_5-.Ltmp2, $4  }
0x39: {  	[tilespmem:$0xA960] =	vst v0  }
0x3a: {  	[tilespmem:$0xA970] =	vst v0  }
0x3b: {  	_ =	swait.ge [sflag:s21], $0x80  }
0x3c: {  	s16 =	sadd.s32 $0xFFFFFFFF, s8;
	[sflag:s21] =	ssyncset.done $0x0  }
.LBB2_4:
0x3d: {  	p3 =	sne.s32 s16, $0x1;
	s16 =	sadd.s32 $0xFFFFFFFF, s16;
	[sflag:s21] =	ssyncadd.s32 $0xFFFFFF80  }
.Ltmp3:
0x3e: {  	(pc) =	sbr.rel @p3 .LBB2_4-.Ltmp3, $3  }
0x3f: {  	_ =	sdelay $0x1  }
0x40: {  	_ =	swait.ge [sflag:s21], $0x80  }
0x41: {  	[sflag:s21] =	ssyncset.done $0x0  }
.LBB2_5:
0x42: {  	[sflag:s21] =	ssyncadd.s32 $0xFFFFFF80;
	s16 =	simm.s32 $0x0  }
0x43: {  	[tilespmem:s22], [sflag:$0x1] =	stream.linear.gather [hbm4b:s9+s16], $0x80, $0x38;
	[tilespmem:$0x1EC00] =	vst v63  }
0x44: {  	_ =	swait.ge [sflag:s23], $0x80  }
0x45: {  	[sflag:s23] =	ssyncset.done $0x0  }
0x46: {  	[sflag:s23] =	ssyncadd.s32 $0xFFFFFF80  }
0x47: {  	[tilespmem:s25], [sflag:$0x3] =	stream.indirect.gather [hbm4b:s0+s24], $0x80, s22, s24, $0xb8;
	[tilespmem:$0x1EC00] =	vst v63  }
0x48: {  	s7 =	rddreg [dreg:$0x9]  }
0x49: {  	[tilespmem:s26], [sflag:$0x2] =	stream.linear.gather [hbm4b:s7+s16], $0x80, $0x38;
	[tilespmem:$0x1EC00] =	vst v63  }
0x4a: {  	[bflag:$0x0] =	sbarrier.arrive $0xFFFF  }
0x4b: {  	_ =	swait.ge [sflag:s28], $0x4000  }
0x4c: {  	[sflag:s28] =	ssyncset.done $0x0  }
0x4d: {  	s10 =	rddreg [dreg:$0xd];
	[sflag:s28] =	ssyncadd.s32 $0xFFFFC000  }
0x4e: {  	[tilespmem:s22], [sflag:$0x1] =	stream.linear.gather [hbm4b:s10+s16], $0x80, $0x38;
	[tilespmem:$0x1EC00] =	vst v63  }
0x4f: {  	_ = 	snop  }
0x50: {  	[spmem:s2] =	stream.indirect.scatter.add.f32 [tilespmem:s25], [sflag:$0x7], $0x80, s16, s24, $0xb8;
	[tilespmem:$0x1EC00] =	vst v63  }
0x51: {  	_ = 	snop  }
0x52: {  	[spmem:s4] =	stream.indirect.scatter.add.f32 [tilespmem:s29], [sflag:$0x5], $0x1, s16, s24, $0xb8;
	[tilespmem:$0x1EC00] =	vst v63  }
0x53: {  	_ =	swait.ge [sflag:s30], $0x80  }
0x54: {  	[sflag:s30] =	ssyncset.done $0x0  }
0x55: {  	[sflag:s30] =	ssyncadd.s32 $0xFFFFFF80  }
0x56: {  	[tilespmem:s31], [sflag:$0x4] =	stream.indirect.gather [hbm4b:s0+s24], $0x80, s26, s24, $0xb8;
	[tilespmem:$0x1EC00] =	vst v63  }
0x57: {  	_ =	swait.ge [sflag:s3], $0x4000  }
0x58: {  	[sflag:s3] =	ssyncset.done $0x0  }
0x59: {  	s17 =	rddreg [dreg:$0xe];
	[sflag:s3] =	ssyncadd.s32 $0xFFFFC000  }
0x5a: {  	[tilespmem:s26], [sflag:$0x2] =	stream.linear.gather [hbm4b:s17+s16], $0x80, $0x38;
	[tilespmem:$0x1EC00] =	vst v63  }
0x5b: {  	_ = 	snop  }
0x5c: {  	[spmem:s2] =	stream.indirect.scatter.add.f32 [tilespmem:s31], [sflag:$0x8], $0x80, s24, s24, $0xb8;
	[tilespmem:$0x1EC00] =	vst v63  }
0x5d: {  	_ = 	snop  }
0x5e: {  	[spmem:s4] =	stream.indirect.scatter.add.f32 [tilespmem:s29], [sflag:$0x5], $0x1, s24, s24, $0xb8;
	[tilespmem:$0x1EC00] =	vst v63  }
0x5f: {  	_ =	swait.ge [sflag:s1], $0x4000  }
0x60: {  	[sflag:s1] =	ssyncset.done $0x0  }
0x61: {  	[sflag:s1] =	ssyncadd.s32 $0xFFFFC000  }
0x62: {  	_ =	swait.ge [sflag:s23], $0x80  }
0x63: {  	[sflag:s23] =	ssyncset.done $0x0  }
0x64: {  	[sflag:s23] =	ssyncadd.s32 $0xFFFFFF80  }
0x65: {  	[tilespmem:s25], [sflag:$0x3] =	stream.indirect.gather [hbm4b:s0+s24], $0x80, s22, s24, $0xb8;
	[tilespmem:$0x1EC00] =	vst v63  }
0x66: {  	_ =	swait.ge [sflag:s28], $0x4000  }
0x67: {  	[sflag:s28] =	ssyncset.done $0x0  }
0x68: {  	[sflag:s28] =	ssyncadd.s32 $0xFFFFC000  }
0x69: {  	[tilespmem:s22], [sflag:$0x1] =	stream.linear.gather [hbm4b:s19+s6], $0x80, $0x38;
	[tilespmem:$0x1EC00] =	vst v63  }
0x6a: {  	s7 =	simm.s32 $0x100  }
0x6b: {  	[spmem:s2] =	stream.indirect.scatter.add.f32 [tilespmem:s25], [sflag:$0x7], $0x80, s7, s24, $0xb8;
	[tilespmem:$0x1EC00] =	vst v63  }
0x6c: {  	_ = 	snop  }
0x6d: {  	[spmem:s4] =	stream.indirect.scatter.add.f32 [tilespmem:s29], [sflag:$0x5], $0x1, s7, s24, $0xb8;
	[tilespmem:$0x1EC00] =	vst v63  }
0x6e: {  	_ =	swait.ge [sflag:s5], $0x4000  }
0x6f: {  	[sflag:s5] =	ssyncset.done $0x0  }
0x70: {  	[sflag:s5] =	ssyncadd.s32 $0xFFFFC000  }
0x71: {  	_ =	swait.ge [sflag:s30], $0x80  }
0x72: {  	[sflag:s30] =	ssyncset.done $0x0  }
0x73: {  	[sflag:s30] =	ssyncadd.s32 $0xFFFFFF80  }
0x74: {  	[tilespmem:s31], [sflag:$0x4] =	stream.indirect.gather [hbm4b:s0+s24], $0x80, s26, s24, $0xb8;
	[tilespmem:$0x1EC00] =	vst v63  }
0x75: {  	_ =	swait.ge [sflag:s3], $0x4000  }
0x76: {  	[sflag:s3] =	ssyncset.done $0x0  }
0x77: {  	s10 =	sadd.s32 $0x400, s19;
	[sflag:s3] =	ssyncadd.s32 $0xFFFFC000  }
0x78: {  	[tilespmem:s26], [sflag:$0x2] =	stream.linear.gather [hbm4b:s10+s6], $0x80, $0x38;
	[tilespmem:$0x1EC00] =	vst v63  }
0x79: {  	s17 =	simm.s32 $0x180  }
0x7a: {  	[spmem:s2] =	stream.indirect.scatter.add.f32 [tilespmem:s31], [sflag:$0x8], $0x80, s17, s24, $0xb8;
	[tilespmem:$0x1EC00] =	vst v63  }
0x7b: {  	_ = 	snop  }
0x7c: {  	[spmem:s4] =	stream.indirect.scatter.add.f32 [tilespmem:s29], [sflag:$0x5], $0x1, s17, s24, $0xb8;
	[tilespmem:$0x1EC00] =	vst v63  }
0x7d: {  	_ =	swait.ge [sflag:s1], $0x4000  }
0x7e: {  	[sflag:s1] =	ssyncset.done $0x0  }
0x7f: {  	[sflag:s1] =	ssyncadd.s32 $0xFFFFC000  }
0x80: {  	_ =	swait.ge [sflag:s23], $0x80  }
0x81: {  	[sflag:s23] =	ssyncset.done $0x0  }
0x82: {  	s16 =	simm.s32 $0x400;
	s17 =	sadd.s32 $0x800, s19;
	[sflag:s23] =	ssyncadd.s32 $0xFFFFFF80  }
.LBB2_6:
0x83: {  	[tilespmem:s25], [sflag:$0x3] =	stream.indirect.gather [hbm4b:s0+s24], $0x80, s22, s24, $0xb8;
	[tilespmem:$0x1EC00] =	vst v63  }
0x84: {  	s7 =	smov.u32 s16  }
0x85: {  	p3 =	sne.s32 s16, $0x9000;
	s16 =	sadd.s32 $0x400, s16;
	_ =	swait.ge [sflag:s28], $0x4000  }
0x86: {  	[sflag:s28] =	ssyncset.done $0x0  }
0x87: {  	s7 =	sshra.s32 s7, $0x2;
	[sflag:s28] =	ssyncadd.s32 $0xFFFFC000  }
0x88: {  	[tilespmem:s22], [sflag:$0x1] =	stream.linear.gather [hbm4b:s17+s6], $0x80, $0x38;
	[tilespmem:$0x1EC00] =	vst v63  }
0x89: {  	s10 =	sadd.s32 $0x100, s7  }
0x8a: {  	[spmem:s2] =	stream.indirect.scatter.add.f32 [tilespmem:s25], [sflag:$0x7], $0x80, s10, s24, $0xb8;
	[tilespmem:$0x1EC00] =	vst v63  }
0x8b: {  	_ = 	snop  }
0x8c: {  	[spmem:s4] =	stream.indirect.scatter.add.f32 [tilespmem:s29], [sflag:$0x5], $0x1, s10, s24, $0xb8;
	[tilespmem:$0x1EC00] =	vst v63  }
0x8d: {  	_ =	swait.ge [sflag:s5], $0x4000  }
0x8e: {  	[sflag:s5] =	ssyncset.done $0x0  }
0x8f: {  	[sflag:s5] =	ssyncadd.s32 $0xFFFFC000  }
0x90: {  	_ =	swait.ge [sflag:s30], $0x80  }
0x91: {  	[sflag:s30] =	ssyncset.done $0x0  }
0x92: {  	[sflag:s30] =	ssyncadd.s32 $0xFFFFFF80  }
0x93: {  	[tilespmem:s31], [sflag:$0x4] =	stream.indirect.gather [hbm4b:s0+s24], $0x80, s26, s24, $0xb8;
	[tilespmem:$0x1EC00] =	vst v63  }
0x94: {  	_ =	swait.ge [sflag:s3], $0x4000  }
0x95: {  	[sflag:s3] =	ssyncset.done $0x0  }
0x96: {  	s10 =	sadd.s32 $0x400, s17;
	[sflag:s3] =	ssyncadd.s32 $0xFFFFC000  }
0x97: {  	[tilespmem:s26], [sflag:$0x2] =	stream.linear.gather [hbm4b:s10+s6], $0x80, $0x38;
	[tilespmem:$0x1EC00] =	vst v63  }
0x98: {  	s7 =	sadd.s32 $0x180, s7  }
0x99: {  	[spmem:s2] =	stream.indirect.scatter.add.f32 [tilespmem:s31], [sflag:$0x8], $0x80, s7, s24, $0xb8;
	[tilespmem:$0x1EC00] =	vst v63  }
0x9a: {  	_ = 	snop  }
0x9b: {  	[spmem:s4] =	stream.indirect.scatter.add.f32 [tilespmem:s29], [sflag:$0x5], $0x1, s7, s24, $0xb8;
	[tilespmem:$0x1EC00] =	vst v63  }
0x9c: {  	_ =	swait.ge [sflag:s1], $0x4000  }
.Ltmp4:
0x9d: {  	[sflag:s1] =	ssyncset.done $0x0;
	(pc) =	sbr.rel @p3 .LBB2_6-.Ltmp4, $4  }
0x9e: {  	[sflag:s1] =	ssyncadd.s32 $0xFFFFC000  }
0x9f: {  	_ =	swait.ge [sflag:s23], $0x80  }
0xa0: {  	[sflag:s23] =	ssyncset.done $0x0  }
0xa1: {  	s17 =	sadd.s32 $0x800, s17;
	[sflag:s23] =	ssyncadd.s32 $0xFFFFFF80  }
0xa2: {  	[tilespmem:s25], [sflag:$0x3] =	stream.indirect.gather [hbm4b:s0+s24], $0x80, s22, s24, $0xb8;
	[tilespmem:$0x1EC00] =	vst v63  }
0xa3: {  	_ =	swait.ge [sflag:s28], $0x4000  }
0xa4: {  	s7 =	simm.s32 @!p1 $0x0;
	[sflag:s28] =	ssyncset.done $0x0  }
0xa5: {  	s10 =	simm.s32 @!p1 $0x2800;
	s16 =	rddreg [dreg:$0xf];
	[sflag:s28] =	ssyncadd.s32 $0xFFFFC000  }
0xa6: {  	[tilespmem:s10], [sflag:$0x1] =	stream.linear.gather @!p1 [hbm4b:s16+s7], $0x80, $0x38;
	[tilespmem:$0x1EC00] =	vst v63  }
0xa7: {  	s16 =	simm.s32 $0x2600  }
0xa8: {  	[spmem:s2] =	stream.indirect.scatter.add.f32 [tilespmem:s25], [sflag:$0x7], $0x80, s16, s24, $0xb8;
	[tilespmem:$0x1EC00] =	vst v63  }
0xa9: {  	_ = 	snop  }
0xaa: {  	[spmem:s4] =	stream.indirect.scatter.add.f32 [tilespmem:s29], [sflag:$0x5], $0x1, s16, s24, $0xb8;
	[tilespmem:$0x1EC00] =	vst v63  }
0xab: {  	_ =	swait.ge [sflag:s5], $0x4000  }
0xac: {  	[sflag:s5] =	ssyncset.done $0x0  }
0xad: {  	[sflag:s5] =	ssyncadd.s32 $0xFFFFC000  }
0xae: {  	_ =	swait.ge [sflag:s30], $0x80  }
0xaf: {  	[sflag:s30] =	ssyncset.done $0x0  }
0xb0: {  	[sflag:s30] =	ssyncadd.s32 $0xFFFFFF80  }
0xb1: {  	[tilespmem:s31], [sflag:$0x4] =	stream.indirect.gather [hbm4b:s0+s24], $0x80, s26, s24, $0xb8;
	[tilespmem:$0x1EC00] =	vst v63  }
0xb2: {  	_ =	swait.ge [sflag:s3], $0x4000  }
0xb3: {  	[sflag:s3] =	ssyncset.done $0x0  }
0xb4: {  	s17 =	simm.s32 $0x2680;
	[sflag:s3] =	ssyncadd.s32 $0xFFFFC000  }
0xb5: {  	[spmem:s2] =	stream.indirect.scatter.add.f32 [tilespmem:s31], [sflag:$0x8], $0x80, s17, s24, $0xb8;
	[tilespmem:$0x1EC00] =	vst v63  }
0xb6: {  	_ = 	snop  }
0xb7: {  	[spmem:s4] =	stream.indirect.scatter.add.f32 [tilespmem:s29], [sflag:$0x5], $0x1, s17, s24, $0xb8;
	[tilespmem:$0x1EC00] =	vst v63  }
0xb8: {  	_ =	swait.ge [sflag:s1], $0x4000  }
0xb9: {  	[sflag:s1] =	ssyncset.done $0x0  }
0xba: {  	s7 =	simm.s32 @!p1 $0x1;
	[sflag:s1] =	ssyncadd.s32 $0xFFFFC000  }
0xbb: {  	_ =	swait.ge @!p1 [sflag:s7], $0x80  }
0xbc: {  	[sflag:s7] =	ssyncset.done @!p1 $0x0  }
0xbd: {  	s16 =	simm.s32 @!p1 $0x2900;
	[sflag:s7] =	ssyncadd.s32 @!p1 $0xFFFFFF80;
	s7 =	simm.s32 @!p1 $0x80  }
0xbe: {  	[tilespmem:s16], [sflag:$0x3] =	stream.indirect.gather @!p1 [hbm4b:s0+s7], $0x80, s10, s7, $0xb8;
	[tilespmem:$0x1EC00] =	vst v63  }
0xbf: {  	s10 =	simm.s32 @!p1 $0x3  }
0xc0: {  	_ =	swait.ge @!p1 [sflag:s10], $0x4000  }
0xc1: {  	[sflag:s10] =	ssyncset.done @!p1 $0x0  }
0xc2: {  	[sflag:s10] =	ssyncadd.s32 @!p1 $0xFFFFC000;
	s10 =	simm.s32 @!p1 $0x2700  }
0xc3: {  	[spmem:s2] =	stream.indirect.scatter.add.f32 @!p1 [tilespmem:s16], [sflag:$0x7], $0x80, s10, s7, $0xb8;
	[tilespmem:$0x1EC00] =	vst v63  }
0xc4: {  	s16 =	simm.s32 @!p1 $0xA900  }
0xc5: {  	[spmem:s4] =	stream.indirect.scatter.add.f32 @!p1 [tilespmem:s16], [sflag:$0x5], $0x1, s10, s7, $0xb8;
	[tilespmem:$0x1EC00] =	vst v63  }
0xc6: {  	s7 =	simm.s32 @!p1 $0x7  }
0xc7: {  	_ =	swait.ge @!p1 [sflag:s7], $0x4000  }
0xc8: {  	[sflag:s7] =	ssyncset.done @!p1 $0x0  }
0xc9: {  	[sflag:s7] =	ssyncadd.s32 @!p1 $0xFFFFC000  }
.Ltmp5:
0xca: {  	_ =	swait.ge [sflag:s5], $0x4000;
	(pc) =	sbr.rel @!p2 .LBB2_9-.Ltmp5, $4  }
0xcb: {  	[sflag:s5] =	ssyncset.done $0x0  }
0xcc: {  	[sflag:s5] =	ssyncadd.s32 $0xFFFFC000  }
0xcd: {  	_ =	swait.ge [sflag:s11], $0x80  }
0xce: {  	s16 =	sadd.s32 $0xFFFFFFFF, s8;
	[sflag:s11] =	ssyncset.done $0x0  }
.LBB2_8:
0xcf: {  	p2 =	sne.s32 s16, $0x1;
	s16 =	sadd.s32 $0xFFFFFFFF, s16;
	[sflag:s11] =	ssyncadd.s32 $0xFFFFFF80  }
.Ltmp6:
0xd0: {  	(pc) =	sbr.rel @p2 .LBB2_8-.Ltmp6, $3  }
0xd1: {  	_ =	sdelay $0x1  }
0xd2: {  	_ =	swait.ge [sflag:s11], $0x80  }
0xd3: {  	[sflag:s11] =	ssyncset.done $0x0  }
.LBB2_9:
0xd4: {  	[sflag:s11] =	ssyncadd.s32 $0xFFFFFF80  }
0xd5: {  	[bflag:$0x0] =	sbarrier.arrive $0xFFFF  }
0xd6: {  	s7 =	rddreg [dreg:$0xa]  }
0xd7: {  	[hbm:s7], [sflag:s13] =	dma.local [spmem:s15], $0x2800  }
0xd8: {  	_ =	swait.ge [sflag:s20], $0x2800  }
0xd9: {  	s10 =	simm.s32 @!p0 $0x20;
	s7 =	simm.s32 @!p0 $0x1;
	[sflag:s20] =	ssyncset.done $0x0  }
0xda: {  	s15 =	simm.s32 @!p0 $0x10;
	s16 =	rddreg [dreg:$0xb];
	[sflag:s20] =	ssyncadd.s32 $0xFFFFD800  }
0xdb: {  	[hbm:s16@s10], [sflag:s13] =	dma.strided @!p0 [spmem:s14@s15], $0x500, s7, $0x10   }
0xdc: {  	s7 =	simm.s32 @!p0 $0x9  }
0xdd: {  	_ =	swait.ge @!p0 [sflag:s7], $0x500  }
0xde: {  	s12 =	sadd.s32 $0x1, s12;
	s17 =	rddreg [dreg:$0xc]  }
0xdf: {  	p2 =	sne.s32 s12, s17  }
.Ltmp7:
0xe0: {  	_ = 	snop;
	(pc) =	sbr.rel @p2 .LBB2_1-.Ltmp7, $3  }
0xe1: {  	_ =	sdelay $0x1  }
0xe2: {  	[sflag:s7] =	ssyncset.done @!p0 $0x0  }
0xe3: {  	[sflag:s7] =	ssyncadd.s32 @!p0 $0xFFFFFB00  }
0xe4: {  	_ =	sfence.sel $0x180000  }
0xe5: {  	[bflag:$0x0] =	sbarrier.arrive $0xFFFF  }
0xe6: {  	_ =	strace $0x90000047  }
0xe7: {  	[bflag:$0x2] =	sbarrier.arrive $0xFFFF  }
0xe8: {  	s0 =	rddreg [dreg:$0x6]  }
0xe9: {  	s0 =	sadd.s32 @!p0 $0x100000, s0  }
0xea: {  	[sflag:s0] =	ssyncadd.tile.s32 @!p0 $0x1;
	_ =	shalt  }
.Lfunc_end2:
_tile_overlayer_lowered:
.L_overlay_start_2:
0xeb: {  	(tag) =	ssettag $0x2  }
0xec: {  	s0 =	rddreg [dreg:$0x0];
	s2 =	stileid.u32  }
0xed: {  	s1 =	rddreg [dreg:$0x1];
	p0 =	sne.s32 s2, $0x0  }
0xee: {  	s3 =	rddreg [dreg:$0x2];
	[bflag:$0x3] =	sbarrier.arrive $0xFFFF;
	s2 =	simm.s32 @!p0 $0x1C09  }
0xef: {  	[timem:s3], [sflag:s2] =	dma.local @!p0 [hbm:s0], s1  }
0xf0: {  	s0 =	simm.s32 @!p0 $0x9  }
0xf1: {  	_ =	swait.ge @!p0 [sflag:s0], s1  }
0xf2: {  	s1 =	ssub.s32 @!p0 $0x0, s1;
	[sflag:s0] =	ssyncset.done @!p0 $0x0  }
0xf3: {  	[sflag:s0] =	ssyncadd.s32 @!p0 s1  }
0xf4: {  	[bflag:$0x3] =	sbarrier.arrive $0xFFFF  }
0xf5: {  	_ =	shalt  }

</sc_bundles>
